<compile_context>
chip_gen: v7x
topology: tpu7x:2x2x1
jax: 0.10.2.dev20260603
libtpu: 0.0.44.dev20260713+nightly
codegen_flags: <defaults>
</compile_context>

<pallas_src>
import functools

import jax
import jax.numpy as jnp
from jax import lax
from jax.experimental import pallas as pl
from jax.experimental.pallas import tpu as pltpu
from jax.experimental.pallas import tpu_sc as plsc

VOCAB = 1000000
EMBED_DIM = 64
SEQ_LEN = 200
BATCH = 4096

NUM_CORES = 2
NUM_SUBCORES = 16
NUM_WORKERS = NUM_CORES * NUM_SUBCORES
BLK = BATCH // NUM_WORKERS
NBUF = 4
NSPLIT = 1

_mesh = plsc.VectorSubcoreMesh(core_axis_name="c", subcore_axis_name="s")


def _make_embed(nseq):
    assert nseq >= 2 * NBUF

    @functools.partial(
        pl.kernel,
        mesh=_mesh,
        out_type=jax.ShapeDtypeStruct((nseq, BATCH, EMBED_DIM), jnp.float32),
        scratch_types=[
            pltpu.VMEM((nseq, BLK), jnp.int32),
            [pltpu.VMEM((BLK, EMBED_DIM), jnp.float32) for _ in range(NBUF)],
            [pltpu.SemaphoreType.DMA for _ in range(NBUF)],
            [pltpu.SemaphoreType.DMA for _ in range(NBUF)],
            [pltpu.SemaphoreType.DMA for _ in range(NBUF)],
        ],
        compiler_params=pltpu.CompilerParams(use_tc_tiling_on_sc=False),
    )
    def _embed(ids_t_hbm, wt_hbm, pos_rep_hbm, out_hbm, idx_all, rows,
               gsem, ssem, isem):
        wid = lax.axis_index("s") * NUM_CORES + lax.axis_index("c")
        pltpu.sync_copy(ids_t_hbm.at[:, pl.ds(wid * BLK, BLK)], idx_all)

        def init_start(s, b):
            pltpu.async_copy(pos_rep_hbm.at[s], rows[b], isem[b])

        def init_wait(s, b):
            pltpu.make_async_copy(
                pos_rep_hbm.at[s], rows[b], isem[b]).wait()

        def gather_start(s, b):
            pltpu.async_copy(wt_hbm.at[idx_all.at[s]], rows[b], gsem[b],
                             add=True)

        def gather_wait(s, b):
            pltpu.make_async_copy(
                wt_hbm.at[idx_all.at[s]], rows[b], gsem[b]).wait()

        def out_slice(s):
            return out_hbm.at[s, pl.ds(wid * BLK, BLK)]

        def store_start(s, b):
            pltpu.async_copy(rows[b], out_slice(s), ssem[b])

        def store_wait(s, b):
            pltpu.make_async_copy(rows[b], out_slice(s), ssem[b]).wait()

        for k in range(3):
            init_start(k, k)
        for k in range(2):
            init_wait(k, k)
            gather_start(k, k)

        def step(s, b, head, tail3, tail2):
            gather_wait(s, b)
            store_start(s, b)
            b3 = (b + NBUF - 1) % NBUF
            b2 = (b + NBUF - 2) % NBUF
            if tail3:
                if not head:
                    store_wait(s - 1, b3)
                init_start(s + NBUF - 1, b3)
            if tail2:
                init_wait(s + NBUF - 2, b2)
                gather_start(s + NBUF - 2, b2)

        step(0, 0, True, True, True)

        def group_body(i, carry):
            for k in range(NBUF):
                step(NBUF * i + 1 + k, (1 + k) % NBUF, False, True, True)
            return carry

        n_full = nseq - NBUF
        lax.fori_loop(0, n_full // NBUF, group_body, 0)
        for r in range(n_full % NBUF):
            s = 1 + (n_full // NBUF) * NBUF + r
            step(s, s % NBUF, False, True, True)

        s1 = nseq - NBUF + 1
        step(s1, s1 % NBUF, False, False, True)
        for s in range(nseq - NBUF + 2, nseq):
            gather_wait(s, s % NBUF)
            store_start(s, s % NBUF)

        for s in range(nseq - NBUF, nseq):
            store_wait(s, s % NBUF)

    return _embed


_embed_chunk = _make_embed(SEQ_LEN // NSPLIT)


def kernel(input_ids, word_table, pos_table):
    ids_t = input_ids.T.astype(jnp.int32)
    pos_rep = jnp.broadcast_to(pos_table[:, None, :], (SEQ_LEN, BLK, EMBED_DIM))
    out_t = _embed_chunk(ids_t, word_table, pos_rep)
    return out_t.transpose(1, 0, 2)

# --- scband reference (transcript-rebuilt; emitter-appended) ---
"""Pipeline reference for scband-embedding-layer-678604832823 (READ-ONLY COPY).

The authoritative reference and input builder live on the scoring server;
editing this copy changes nothing except your own understanding.
"""

import jax, jax.numpy as jnp
import numpy as np

VOCAB = 1000000
EMBED_DIM = 64
SEQ_LEN = 200
BATCH = 4096


def setup_inputs(seed: int = 0) -> dict:
    key = jax.random.key(seed)
    k1, k2, k3 = jax.random.split(key, 3)
    input_ids = jax.random.randint(k1, (BATCH, SEQ_LEN), 0, VOCAB, dtype=jnp.int64 if jax.config.jax_enable_x64 else jnp.int32)
    word_table = jax.random.normal(k2, (VOCAB, EMBED_DIM), dtype=jnp.float32) * 0.02
    pos_table = jax.random.normal(k3, (SEQ_LEN, EMBED_DIM), dtype=jnp.float32) * 0.02
    return {"input_ids": input_ids, "word_table": word_table, "pos_table": pos_table}


def reference(input_ids, word_table, pos_table):
    seq_len = input_ids.shape[1]
    word_embeddings = jnp.take(word_table, input_ids, axis=0)
    positional_embeddings = jnp.take(pos_table, jnp.arange(seq_len), axis=0)
    embeddings = word_embeddings + positional_embeddings[None, :, :]
    # dropout is identity in eval/inference mode
    return embeddings

if __name__ == "__main__":
    import jax
    _d = setup_inputs()
    print(jax.jit(kernel)(*tuple(_d.values())))

</pallas_src>

<mosaic_0001>
#map = affine_map<(d0, d1) -> (0, 0)>
#map1 = affine_map<(d0, d1) -> (0, 0, 0)>
module attributes {stable_mosaic.version = 14 : i64} {
  func.func @_embed(%arg0: i32, %arg1: i32, %arg2: memref<200x4096xi32, #tpu.memory_space<hbm>>, %arg3: memref<1000000x64xf32, #tpu.memory_space<hbm>>, %arg4: memref<200x128x64xf32, #tpu.memory_space<hbm>>, %arg5: memref<200x4096x64xf32, #tpu.memory_space<hbm>>, %arg6: memref<200x128xi32, #tpu.memory_space<vmem>>, %arg7: memref<128x64xf32, #tpu.memory_space<vmem>>, %arg8: memref<128x64xf32, #tpu.memory_space<vmem>>, %arg9: memref<128x64xf32, #tpu.memory_space<vmem>>, %arg10: memref<128x64xf32, #tpu.memory_space<vmem>>, %arg11: memref<!tpu.dma_semaphore, #tpu.memory_space<semaphore_mem>>, %arg12: memref<!tpu.dma_semaphore, #tpu.memory_space<semaphore_mem>>, %arg13: memref<!tpu.dma_semaphore, #tpu.memory_space<semaphore_mem>>, %arg14: memref<!tpu.dma_semaphore, #tpu.memory_space<semaphore_mem>>, %arg15: memref<!tpu.dma_semaphore, #tpu.memory_space<semaphore_mem>>, %arg16: memref<!tpu.dma_semaphore, #tpu.memory_space<semaphore_mem>>, %arg17: memref<!tpu.dma_semaphore, #tpu.memory_space<semaphore_mem>>, %arg18: memref<!tpu.dma_semaphore, #tpu.memory_space<semaphore_mem>>, %arg19: memref<!tpu.dma_semaphore, #tpu.memory_space<semaphore_mem>>, %arg20: memref<!tpu.dma_semaphore, #tpu.memory_space<semaphore_mem>>, %arg21: memref<!tpu.dma_semaphore, #tpu.memory_space<semaphore_mem>>, %arg22: memref<!tpu.dma_semaphore, #tpu.memory_space<semaphore_mem>>) attributes {dimension_semantics = [#tpu.dimension_semantics<core_parallel>, #tpu.dimension_semantics<subcore_parallel>], iteration_bounds = array<i64: 2, 16>, scalar_prefetch = 0 : i64, scratch_operands = 17 : i64, tpu.core_type = #tpu.core_type<sc_vector_subcore>, window_params = [{transform_indices = #map}, {transform_indices = #map}, {transform_indices = #map1}, {transform_indices = #map1}]} {
    %mul3A = arith.constant 2 : i32
    %mul3A_0 = arith.muli %arg1, %mul3A : i32
    %add3A = arith.addi %mul3A_0, %arg0 : i32
    %mul3A_1 = arith.constant 128 : i32
    %mul3A_2 = arith.muli %add3A, %mul3A_1 : i32
    "tpu.region"() ({
      %run_scoped3A = tpu.sem_alloc : memref<!tpu.dma_semaphore, #tpu.memory_space<semaphore_mem>>
      %dma_start3A_206 = arith.constant 0 : i32
      %dma_start3A_207 = tpu.memref_slice %arg2[%dma_start3A_206, %mul3A_2] : memref<200x4096xi32, #tpu.memory_space<hbm>> -> memref<200x128xi32, #tpu.memory_space<hbm>>
      %dma_start3A_208 = arith.constant 0 : i32
      %dma_start3A_209 = tpu.memref_slice %arg2[%dma_start3A_208, %mul3A_2] : memref<200x4096xi32, #tpu.memory_space<hbm>> -> memref<200x128xi32, #tpu.memory_space<hbm>>
      tpu.enqueue_dma source(%dma_start3A_209 : memref<200x128xi32, #tpu.memory_space<hbm>>) target(%arg6 : memref<200x128xi32, #tpu.memory_space<vmem>>) target_semaphore(%run_scoped3A : memref<!tpu.dma_semaphore, #tpu.memory_space<semaphore_mem>>)
      %dma_wait3A_210 = arith.constant 0 : i32
      %dma_wait3A_211 = tpu.memref_slice %arg2[%dma_wait3A_210, %mul3A_2] : memref<200x4096xi32, #tpu.memory_space<hbm>> -> memref<200x128xi32, #tpu.memory_space<hbm>>
      %dma_wait3A_212 = arith.constant 0 : i32
      %dma_wait3A_213 = tpu.memref_slice %arg2[%dma_wait3A_212, %mul3A_2] : memref<200x4096xi32, #tpu.memory_space<hbm>> -> memref<200x128xi32, #tpu.memory_space<hbm>>
      tpu.wait_dma2 semaphore(%run_scoped3A : memref<!tpu.dma_semaphore, #tpu.memory_space<semaphore_mem>>) src(%dma_wait3A_213 : memref<200x128xi32, #tpu.memory_space<hbm>>) dst(%arg6 : memref<200x128xi32, #tpu.memory_space<vmem>>)
      tpu.yield
    }) : () -> ()
    %dma_start3A = arith.constant 0 : i32
    %dma_start3A_3 = arith.constant 0 : i32
    %dma_start3A_4 = arith.constant 0 : i32
    %dma_start3A_5 = tpu.memref_slice %arg4[%dma_start3A, %dma_start3A_3, %dma_start3A_4] : memref<200x128x64xf32, #tpu.memory_space<hbm>> -> memref<1x128x64xf32, #tpu.memory_space<hbm>>
    %dma_start3A_6 = tpu.memref_squeeze %dma_start3A_5 : memref<1x128x64xf32, #tpu.memory_space<hbm>> -> memref<128x64xf32, #tpu.memory_space<hbm>>
    %dma_start3A_7 = arith.constant 0 : i32
    %dma_start3A_8 = arith.constant 0 : i32
    %dma_start3A_9 = tpu.memref_slice %arg4[%dma_start3A, %dma_start3A_7, %dma_start3A_8] : memref<200x128x64xf32, #tpu.memory_space<hbm>> -> memref<1x128x64xf32, #tpu.memory_space<hbm>>
    %dma_start3A_10 = tpu.memref_squeeze %dma_start3A_9 : memref<1x128x64xf32, #tpu.memory_space<hbm>> -> memref<128x64xf32, #tpu.memory_space<hbm>>
    tpu.enqueue_dma source(%dma_start3A_10 : memref<128x64xf32, #tpu.memory_space<hbm>>) target(%arg7 : memref<128x64xf32, #tpu.memory_space<vmem>>) target_semaphore(%arg19 : memref<!tpu.dma_semaphore, #tpu.memory_space<semaphore_mem>>)
    %dma_start3A_11 = arith.constant 1 : i32
    %dma_start3A_12 = arith.constant 0 : i32
    %dma_start3A_13 = arith.constant 0 : i32
    %dma_start3A_14 = tpu.memref_slice %arg4[%dma_start3A_11, %dma_start3A_12, %dma_start3A_13] : memref<200x128x64xf32, #tpu.memory_space<hbm>> -> memref<1x128x64xf32, #tpu.memory_space<hbm>>
    %dma_start3A_15 = tpu.memref_squeeze %dma_start3A_14 : memref<1x128x64xf32, #tpu.memory_space<hbm>> -> memref<128x64xf32, #tpu.memory_space<hbm>>
    %dma_start3A_16 = arith.constant 0 : i32
    %dma_start3A_17 = arith.constant 0 : i32
    %dma_start3A_18 = tpu.memref_slice %arg4[%dma_start3A_11, %dma_start3A_16, %dma_start3A_17] : memref<200x128x64xf32, #tpu.memory_space<hbm>> -> memref<1x128x64xf32, #tpu.memory_space<hbm>>
    %dma_start3A_19 = tpu.memref_squeeze %dma_start3A_18 : memref<1x128x64xf32, #tpu.memory_space<hbm>> -> memref<128x64xf32, #tpu.memory_space<hbm>>
    tpu.enqueue_dma source(%dma_start3A_19 : memref<128x64xf32, #tpu.memory_space<hbm>>) target(%arg8 : memref<128x64xf32, #tpu.memory_space<vmem>>) target_semaphore(%arg20 : memref<!tpu.dma_semaphore, #tpu.memory_space<semaphore_mem>>)
    %dma_start3A_20 = arith.constant 2 : i32
    %dma_start3A_21 = arith.constant 0 : i32
    %dma_start3A_22 = arith.constant 0 : i32
    %dma_start3A_23 = tpu.memref_slice %arg4[%dma_start3A_20, %dma_start3A_21, %dma_start3A_22] : memref<200x128x64xf32, #tpu.memory_space<hbm>> -> memref<1x128x64xf32, #tpu.memory_space<hbm>>
    %dma_start3A_24 = tpu.memref_squeeze %dma_start3A_23 : memref<1x128x64xf32, #tpu.memory_space<hbm>> -> memref<128x64xf32, #tpu.memory_space<hbm>>
    %dma_start3A_25 = arith.constant 0 : i32
    %dma_start3A_26 = arith.constant 0 : i32
    %dma_start3A_27 = tpu.memref_slice %arg4[%dma_start3A_20, %dma_start3A_25, %dma_start3A_26] : memref<200x128x64xf32, #tpu.memory_space<hbm>> -> memref<1x128x64xf32, #tpu.memory_space<hbm>>
    %dma_start3A_28 = tpu.memref_squeeze %dma_start3A_27 : memref<1x128x64xf32, #tpu.memory_space<hbm>> -> memref<128x64xf32, #tpu.memory_space<hbm>>
    tpu.enqueue_dma source(%dma_start3A_28 : memref<128x64xf32, #tpu.memory_space<hbm>>) target(%arg9 : memref<128x64xf32, #tpu.memory_space<vmem>>) target_semaphore(%arg21 : memref<!tpu.dma_semaphore, #tpu.memory_space<semaphore_mem>>)
    %dma_wait3A = arith.constant 0 : i32
    %dma_wait3A_29 = arith.constant 0 : i32
    %dma_wait3A_30 = arith.constant 0 : i32
    %dma_wait3A_31 = tpu.memref_slice %arg4[%dma_wait3A, %dma_wait3A_29, %dma_wait3A_30] : memref<200x128x64xf32, #tpu.memory_space<hbm>> -> memref<1x128x64xf32, #tpu.memory_space<hbm>>
    %dma_wait3A_32 = tpu.memref_squeeze %dma_wait3A_31 : memref<1x128x64xf32, #tpu.memory_space<hbm>> -> memref<128x64xf32, #tpu.memory_space<hbm>>
    %dma_wait3A_33 = arith.constant 0 : i32
    %dma_wait3A_34 = arith.constant 0 : i32
    %dma_wait3A_35 = tpu.memref_slice %arg4[%dma_wait3A, %dma_wait3A_33, %dma_wait3A_34] : memref<200x128x64xf32, #tpu.memory_space<hbm>> -> memref<1x128x64xf32, #tpu.memory_space<hbm>>
    %dma_wait3A_36 = tpu.memref_squeeze %dma_wait3A_35 : memref<1x128x64xf32, #tpu.memory_space<hbm>> -> memref<128x64xf32, #tpu.memory_space<hbm>>
    tpu.wait_dma2 semaphore(%arg19 : memref<!tpu.dma_semaphore, #tpu.memory_space<semaphore_mem>>) src(%dma_wait3A_36 : memref<128x64xf32, #tpu.memory_space<hbm>>) dst(%arg7 : memref<128x64xf32, #tpu.memory_space<vmem>>)
    %dma_start3A_37 = arith.constant 0 : i32
    %dma_start3A_38 = arith.constant 0 : i32
    %dma_start3A_39 = tpu.memref_slice %arg6[%dma_start3A_37, %dma_start3A_38] : memref<200x128xi32, #tpu.memory_space<vmem>> -> memref<1x128xi32, #tpu.memory_space<vmem>>
    %dma_start3A_40 = tpu.memref_squeeze %dma_start3A_39 : memref<1x128xi32, #tpu.memory_space<vmem>> -> memref<128xi32, #tpu.memory_space<vmem>>
    %dma_start3A_41 = arith.constant 0 : i32
    %dma_start3A_42 = arith.constant 0 : i32
    %dma_start3A_43 = tpu.memref_slice %arg3[%dma_start3A_41, %dma_start3A_42] : memref<1000000x64xf32, #tpu.memory_space<hbm>> -> memref<1000000x64xf32, #tpu.memory_space<hbm>>
    tpu.enqueue_indirect_dma source(%dma_start3A_43 : memref<1000000x64xf32, #tpu.memory_space<hbm>>) target(%arg7 : memref<128x64xf32, #tpu.memory_space<vmem>>) offsets(%dma_start3A_40 : memref<128xi32, #tpu.memory_space<vmem>>) semaphore(%arg11 : memref<!tpu.dma_semaphore, #tpu.memory_space<semaphore_mem>>) {add = true}
    %dma_wait3A_44 = arith.constant 1 : i32
    %dma_wait3A_45 = arith.constant 0 : i32
    %dma_wait3A_46 = arith.constant 0 : i32
    %dma_wait3A_47 = tpu.memref_slice %arg4[%dma_wait3A_44, %dma_wait3A_45, %dma_wait3A_46] : memref<200x128x64xf32, #tpu.memory_space<hbm>> -> memref<1x128x64xf32, #tpu.memory_space<hbm>>
    %dma_wait3A_48 = tpu.memref_squeeze %dma_wait3A_47 : memref<1x128x64xf32, #tpu.memory_space<hbm>> -> memref<128x64xf32, #tpu.memory_space<hbm>>
    %dma_wait3A_49 = arith.constant 0 : i32
    %dma_wait3A_50 = arith.constant 0 : i32
    %dma_wait3A_51 = tpu.memref_slice %arg4[%dma_wait3A_44, %dma_wait3A_49, %dma_wait3A_50] : memref<200x128x64xf32, #tpu.memory_space<hbm>> -> memref<1x128x64xf32, #tpu.memory_space<hbm>>
    %dma_wait3A_52 = tpu.memref_squeeze %dma_wait3A_51 : memref<1x128x64xf32, #tpu.memory_space<hbm>> -> memref<128x64xf32, #tpu.memory_space<hbm>>
    tpu.wait_dma2 semaphore(%arg20 : memref<!tpu.dma_semaphore, #tpu.memory_space<semaphore_mem>>) src(%dma_wait3A_52 : memref<128x64xf32, #tpu.memory_space<hbm>>) dst(%arg8 : memref<128x64xf32, #tpu.memory_space<vmem>>)
    %dma_start3A_53 = arith.constant 1 : i32
    %dma_start3A_54 = arith.constant 0 : i32
    %dma_start3A_55 = tpu.memref_slice %arg6[%dma_start3A_53, %dma_start3A_54] : memref<200x128xi32, #tpu.memory_space<vmem>> -> memref<1x128xi32, #tpu.memory_space<vmem>>
    %dma_start3A_56 = tpu.memref_squeeze %dma_start3A_55 : memref<1x128xi32, #tpu.memory_space<vmem>> -> memref<128xi32, #tpu.memory_space<vmem>>
    %dma_start3A_57 = arith.constant 0 : i32
    %dma_start3A_58 = arith.constant 0 : i32
    %dma_start3A_59 = tpu.memref_slice %arg3[%dma_start3A_57, %dma_start3A_58] : memref<1000000x64xf32, #tpu.memory_space<hbm>> -> memref<1000000x64xf32, #tpu.memory_space<hbm>>
    tpu.enqueue_indirect_dma source(%dma_start3A_59 : memref<1000000x64xf32, #tpu.memory_space<hbm>>) target(%arg8 : memref<128x64xf32, #tpu.memory_space<vmem>>) offsets(%dma_start3A_56 : memref<128xi32, #tpu.memory_space<vmem>>) semaphore(%arg12 : memref<!tpu.dma_semaphore, #tpu.memory_space<semaphore_mem>>) {add = true}
    %dma_wait3A_60 = arith.constant 0 : i32
    %dma_wait3A_61 = arith.constant 0 : i32
    %dma_wait3A_62 = tpu.memref_slice %arg6[%dma_wait3A_60, %dma_wait3A_61] : memref<200x128xi32, #tpu.memory_space<vmem>> -> memref<1x128xi32, #tpu.memory_space<vmem>>
    %dma_wait3A_63 = tpu.memref_squeeze %dma_wait3A_62 : memref<1x128xi32, #tpu.memory_space<vmem>> -> memref<128xi32, #tpu.memory_space<vmem>>
    %dma_wait3A_64 = arith.constant 0 : i32
    %dma_wait3A_65 = arith.constant 0 : i32
    %dma_wait3A_66 = tpu.memref_slice %arg3[%dma_wait3A_64, %dma_wait3A_65] : memref<1000000x64xf32, #tpu.memory_space<hbm>> -> memref<1000000x64xf32, #tpu.memory_space<hbm>>
    tpu.wait_indirect_dma semaphore(%arg11 : memref<!tpu.dma_semaphore, #tpu.memory_space<semaphore_mem>>) src(%dma_wait3A_66 : memref<1000000x64xf32, #tpu.memory_space<hbm>>) dst(%arg7 : memref<128x64xf32, #tpu.memory_space<vmem>>)
    %mul3A_67 = arith.constant 128 : i32
    %mul3A_68 = arith.muli %add3A, %mul3A_67 : i32
    %dma_start3A_69 = arith.constant 0 : i32
    %dma_start3A_70 = arith.constant 0 : i32
    %dma_start3A_71 = tpu.memref_slice %arg5[%dma_start3A_69, %mul3A_68, %dma_start3A_70] : memref<200x4096x64xf32, #tpu.memory_space<hbm>> -> memref<1x128x64xf32, #tpu.memory_space<hbm>>
    %dma_start3A_72 = tpu.memref_squeeze %dma_start3A_71 : memref<1x128x64xf32, #tpu.memory_space<hbm>> -> memref<128x64xf32, #tpu.memory_space<hbm>>
    %dma_start3A_73 = arith.constant 0 : i32
    %dma_start3A_74 = tpu.memref_slice %arg5[%dma_start3A_69, %mul3A_68, %dma_start3A_73] : memref<200x4096x64xf32, #tpu.memory_space<hbm>> -> memref<1x128x64xf32, #tpu.memory_space<hbm>>
    %dma_start3A_75 = tpu.memref_squeeze %dma_start3A_74 : memref<1x128x64xf32, #tpu.memory_space<hbm>> -> memref<128x64xf32, #tpu.memory_space<hbm>>
    tpu.enqueue_dma source(%arg7 : memref<128x64xf32, #tpu.memory_space<vmem>>) target(%dma_start3A_75 : memref<128x64xf32, #tpu.memory_space<hbm>>) target_semaphore(%arg15 : memref<!tpu.dma_semaphore, #tpu.memory_space<semaphore_mem>>)
    %dma_start3A_76 = arith.constant 3 : i32
    %dma_start3A_77 = arith.constant 0 : i32
    %dma_start3A_78 = arith.constant 0 : i32
    %dma_start3A_79 = tpu.memref_slice %arg4[%dma_start3A_76, %dma_start3A_77, %dma_start3A_78] : memref<200x128x64xf32, #tpu.memory_space<hbm>> -> memref<1x128x64xf32, #tpu.memory_space<hbm>>
    %dma_start3A_80 = tpu.memref_squeeze %dma_start3A_79 : memref<1x128x64xf32, #tpu.memory_space<hbm>> -> memref<128x64xf32, #tpu.memory_space<hbm>>
    %dma_start3A_81 = arith.constant 0 : i32
    %dma_start3A_82 = arith.constant 0 : i32
    %dma_start3A_83 = tpu.memref_slice %arg4[%dma_start3A_76, %dma_start3A_81, %dma_start3A_82] : memref<200x128x64xf32, #tpu.memory_space<hbm>> -> memref<1x128x64xf32, #tpu.memory_space<hbm>>
    %dma_start3A_84 = tpu.memref_squeeze %dma_start3A_83 : memref<1x128x64xf32, #tpu.memory_space<hbm>> -> memref<128x64xf32, #tpu.memory_space<hbm>>
    tpu.enqueue_dma source(%dma_start3A_84 : memref<128x64xf32, #tpu.memory_space<hbm>>) target(%arg10 : memref<128x64xf32, #tpu.memory_space<vmem>>) target_semaphore(%arg22 : memref<!tpu.dma_semaphore, #tpu.memory_space<semaphore_mem>>)
    %dma_wait3A_85 = arith.constant 2 : i32
    %dma_wait3A_86 = arith.constant 0 : i32
    %dma_wait3A_87 = arith.constant 0 : i32
    %dma_wait3A_88 = tpu.memref_slice %arg4[%dma_wait3A_85, %dma_wait3A_86, %dma_wait3A_87] : memref<200x128x64xf32, #tpu.memory_space<hbm>> -> memref<1x128x64xf32, #tpu.memory_space<hbm>>
    %dma_wait3A_89 = tpu.memref_squeeze %dma_wait3A_88 : memref<1x128x64xf32, #tpu.memory_space<hbm>> -> memref<128x64xf32, #tpu.memory_space<hbm>>
    %dma_wait3A_90 = arith.constant 0 : i32
    %dma_wait3A_91 = arith.constant 0 : i32
    %dma_wait3A_92 = tpu.memref_slice %arg4[%dma_wait3A_85, %dma_wait3A_90, %dma_wait3A_91] : memref<200x128x64xf32, #tpu.memory_space<hbm>> -> memref<1x128x64xf32, #tpu.memory_space<hbm>>
    %dma_wait3A_93 = tpu.memref_squeeze %dma_wait3A_92 : memref<1x128x64xf32, #tpu.memory_space<hbm>> -> memref<128x64xf32, #tpu.memory_space<hbm>>
    tpu.wait_dma2 semaphore(%arg21 : memref<!tpu.dma_semaphore, #tpu.memory_space<semaphore_mem>>) src(%dma_wait3A_93 : memref<128x64xf32, #tpu.memory_space<hbm>>) dst(%arg9 : memref<128x64xf32, #tpu.memory_space<vmem>>)
    %dma_start3A_94 = arith.constant 2 : i32
    %dma_start3A_95 = arith.constant 0 : i32
    %dma_start3A_96 = tpu.memref_slice %arg6[%dma_start3A_94, %dma_start3A_95] : memref<200x128xi32, #tpu.memory_space<vmem>> -> memref<1x128xi32, #tpu.memory_space<vmem>>
    %dma_start3A_97 = tpu.memref_squeeze %dma_start3A_96 : memref<1x128xi32, #tpu.memory_space<vmem>> -> memref<128xi32, #tpu.memory_space<vmem>>
    %dma_start3A_98 = arith.constant 0 : i32
    %dma_start3A_99 = arith.constant 0 : i32
    %dma_start3A_100 = tpu.memref_slice %arg3[%dma_start3A_98, %dma_start3A_99] : memref<1000000x64xf32, #tpu.memory_space<hbm>> -> memref<1000000x64xf32, #tpu.memory_space<hbm>>
    tpu.enqueue_indirect_dma source(%dma_start3A_100 : memref<1000000x64xf32, #tpu.memory_space<hbm>>) target(%arg9 : memref<128x64xf32, #tpu.memory_space<vmem>>) offsets(%dma_start3A_97 : memref<128xi32, #tpu.memory_space<vmem>>) semaphore(%arg13 : memref<!tpu.dma_semaphore, #tpu.memory_space<semaphore_mem>>) {add = true}
    %scan3A = arith.constant 0 : i32
    %scan3A_101 = arith.constant 0 : i32
    %scan3A_102 = arith.constant 49 : i32
    %scan3A_103 = arith.addi %scan3A_101, %scan3A_102 : i32
    %scan3A_104 = arith.constant 1 : i32
    scf.for %scan3A_206 = %scan3A_101 to %scan3A_103 step %scan3A_104  : i32 {
      %mul3A_207 = arith.constant 4 : i32
      %mul3A_208 = arith.muli %mul3A_207, %scan3A_206 : i32
      %add3A_209 = arith.constant 1 : i32
      %add3A_210 = arith.addi %mul3A_208, %add3A_209 : i32
      %add3A_211 = arith.constant 0 : i32
      %add3A_212 = arith.addi %add3A_210, %add3A_211 : i32
      %dma_wait3A_213 = arith.constant 0 : i32
      %dma_wait3A_214 = tpu.memref_slice %arg6[%add3A_212, %dma_wait3A_213] : memref<200x128xi32, #tpu.memory_space<vmem>> -> memref<1x128xi32, #tpu.memory_space<vmem>>
      %dma_wait3A_215 = tpu.memref_squeeze %dma_wait3A_214 : memref<1x128xi32, #tpu.memory_space<vmem>> -> memref<128xi32, #tpu.memory_space<vmem>>
      %dma_wait3A_216 = arith.constant 0 : i32
      %dma_wait3A_217 = arith.constant 0 : i32
      %dma_wait3A_218 = tpu.memref_slice %arg3[%dma_wait3A_216, %dma_wait3A_217] : memref<1000000x64xf32, #tpu.memory_space<hbm>> -> memref<1000000x64xf32, #tpu.memory_space<hbm>>
      tpu.wait_indirect_dma semaphore(%arg12 : memref<!tpu.dma_semaphore, #tpu.memory_space<semaphore_mem>>) src(%dma_wait3A_218 : memref<1000000x64xf32, #tpu.memory_space<hbm>>) dst(%arg8 : memref<128x64xf32, #tpu.memory_space<vmem>>)
      %mul3A_219 = arith.constant 128 : i32
      %mul3A_220 = arith.muli %add3A, %mul3A_219 : i32
      %dma_start3A_221 = arith.constant 0 : i32
      %dma_start3A_222 = tpu.memref_slice %arg5[%add3A_212, %mul3A_220, %dma_start3A_221] : memref<200x4096x64xf32, #tpu.memory_space<hbm>> -> memref<1x128x64xf32, #tpu.memory_space<hbm>>
      %dma_start3A_223 = tpu.memref_squeeze %dma_start3A_222 : memref<1x128x64xf32, #tpu.memory_space<hbm>> -> memref<128x64xf32, #tpu.memory_space<hbm>>
      %dma_start3A_224 = arith.constant 0 : i32
      %dma_start3A_225 = tpu.memref_slice %arg5[%add3A_212, %mul3A_220, %dma_start3A_224] : memref<200x4096x64xf32, #tpu.memory_space<hbm>> -> memref<1x128x64xf32, #tpu.memory_space<hbm>>
      %dma_start3A_226 = tpu.memref_squeeze %dma_start3A_225 : memref<1x128x64xf32, #tpu.memory_space<hbm>> -> memref<128x64xf32, #tpu.memory_space<hbm>>
      tpu.enqueue_dma source(%arg8 : memref<128x64xf32, #tpu.memory_space<vmem>>) target(%dma_start3A_226 : memref<128x64xf32, #tpu.memory_space<hbm>>) target_semaphore(%arg16 : memref<!tpu.dma_semaphore, #tpu.memory_space<semaphore_mem>>)
      %sub3A = arith.constant 1 : i32
      %sub3A_227 = arith.subi %add3A_212, %sub3A : i32
      %mul3A_228 = arith.constant 128 : i32
      %mul3A_229 = arith.muli %add3A, %mul3A_228 : i32
      %dma_wait3A_230 = arith.constant 0 : i32
      %dma_wait3A_231 = tpu.memref_slice %arg5[%sub3A_227, %mul3A_229, %dma_wait3A_230] : memref<200x4096x64xf32, #tpu.memory_space<hbm>> -> memref<1x128x64xf32, #tpu.memory_space<hbm>>
      %dma_wait3A_232 = tpu.memref_squeeze %dma_wait3A_231 : memref<1x128x64xf32, #tpu.memory_space<hbm>> -> memref<128x64xf32, #tpu.memory_space<hbm>>
      %dma_wait3A_233 = arith.constant 0 : i32
      %dma_wait3A_234 = tpu.memref_slice %arg5[%sub3A_227, %mul3A_229, %dma_wait3A_233] : memref<200x4096x64xf32, #tpu.memory_space<hbm>> -> memref<1x128x64xf32, #tpu.memory_space<hbm>>
      %dma_wait3A_235 = tpu.memref_squeeze %dma_wait3A_234 : memref<1x128x64xf32, #tpu.memory_space<hbm>> -> memref<128x64xf32, #tpu.memory_space<hbm>>
      tpu.wait_dma2 semaphore(%arg15 : memref<!tpu.dma_semaphore, #tpu.memory_space<semaphore_mem>>) src(%arg7 : memref<128x64xf32, #tpu.memory_space<vmem>>) dst(%dma_wait3A_235 : memref<128x64xf32, #tpu.memory_space<hbm>>)
      %add3A_236 = arith.constant 4 : i32
      %add3A_237 = arith.addi %add3A_212, %add3A_236 : i32
      %sub3A_238 = arith.constant 1 : i32
      %sub3A_239 = arith.subi %add3A_237, %sub3A_238 : i32
      %dma_start3A_240 = arith.constant 0 : i32
      %dma_start3A_241 = arith.constant 0 : i32
      %dma_start3A_242 = tpu.memref_slice %arg4[%sub3A_239, %dma_start3A_240, %dma_start3A_241] : memref<200x128x64xf32, #tpu.memory_space<hbm>> -> memref<1x128x64xf32, #tpu.memory_space<hbm>>
      %dma_start3A_243 = tpu.memref_squeeze %dma_start3A_242 : memref<1x128x64xf32, #tpu.memory_space<hbm>> -> memref<128x64xf32, #tpu.memory_space<hbm>>
      %dma_start3A_244 = arith.constant 0 : i32
      %dma_start3A_245 = arith.constant 0 : i32
      %dma_start3A_246 = tpu.memref_slice %arg4[%sub3A_239, %dma_start3A_244, %dma_start3A_245] : memref<200x128x64xf32, #tpu.memory_space<hbm>> -> memref<1x128x64xf32, #tpu.memory_space<hbm>>
      %dma_start3A_247 = tpu.memref_squeeze %dma_start3A_246 : memref<1x128x64xf32, #tpu.memory_space<hbm>> -> memref<128x64xf32, #tpu.memory_space<hbm>>
      tpu.enqueue_dma source(%dma_start3A_247 : memref<128x64xf32, #tpu.memory_space<hbm>>) target(%arg7 : memref<128x64xf32, #tpu.memory_space<vmem>>) target_semaphore(%arg19 : memref<!tpu.dma_semaphore, #tpu.memory_space<semaphore_mem>>)
      %add3A_248 = arith.constant 4 : i32
      %add3A_249 = arith.addi %add3A_212, %add3A_248 : i32
      %sub3A_250 = arith.constant 2 : i32
      %sub3A_251 = arith.subi %add3A_249, %sub3A_250 : i32
      %dma_wait3A_252 = arith.constant 0 : i32
      %dma_wait3A_253 = arith.constant 0 : i32
      %dma_wait3A_254 = tpu.memref_slice %arg4[%sub3A_251, %dma_wait3A_252, %dma_wait3A_253] : memref<200x128x64xf32, #tpu.memory_space<hbm>> -> memref<1x128x64xf32, #tpu.memory_space<hbm>>
      %dma_wait3A_255 = tpu.memref_squeeze %dma_wait3A_254 : memref<1x128x64xf32, #tpu.memory_space<hbm>> -> memref<128x64xf32, #tpu.memory_space<hbm>>
      %dma_wait3A_256 = arith.constant 0 : i32
      %dma_wait3A_257 = arith.constant 0 : i32
      %dma_wait3A_258 = tpu.memref_slice %arg4[%sub3A_251, %dma_wait3A_256, %dma_wait3A_257] : memref<200x128x64xf32, #tpu.memory_space<hbm>> -> memref<1x128x64xf32, #tpu.memory_space<hbm>>
      %dma_wait3A_259 = tpu.memref_squeeze %dma_wait3A_258 : memref<1x128x64xf32, #tpu.memory_space<hbm>> -> memref<128x64xf32, #tpu.memory_space<hbm>>
      tpu.wait_dma2 semaphore(%arg22 : memref<!tpu.dma_semaphore, #tpu.memory_space<semaphore_mem>>) src(%dma_wait3A_259 : memref<128x64xf32, #tpu.memory_space<hbm>>) dst(%arg10 : memref<128x64xf32, #tpu.memory_space<vmem>>)
      %add3A_260 = arith.constant 4 : i32
      %add3A_261 = arith.addi %add3A_212, %add3A_260 : i32
      %sub3A_262 = arith.constant 2 : i32
      %sub3A_263 = arith.subi %add3A_261, %sub3A_262 : i32
      %dma_start3A_264 = arith.constant 0 : i32
      %dma_start3A_265 = tpu.memref_slice %arg6[%sub3A_263, %dma_start3A_264] : memref<200x128xi32, #tpu.memory_space<vmem>> -> memref<1x128xi32, #tpu.memory_space<vmem>>
      %dma_start3A_266 = tpu.memref_squeeze %dma_start3A_265 : memref<1x128xi32, #tpu.memory_space<vmem>> -> memref<128xi32, #tpu.memory_space<vmem>>
      %dma_start3A_267 = arith.constant 0 : i32
      %dma_start3A_268 = arith.constant 0 : i32
      %dma_start3A_269 = tpu.memref_slice %arg3[%dma_start3A_267, %dma_start3A_268] : memref<1000000x64xf32, #tpu.memory_space<hbm>> -> memref<1000000x64xf32, #tpu.memory_space<hbm>>
      tpu.enqueue_indirect_dma source(%dma_start3A_269 : memref<1000000x64xf32, #tpu.memory_space<hbm>>) target(%arg10 : memref<128x64xf32, #tpu.memory_space<vmem>>) offsets(%dma_start3A_266 : memref<128xi32, #tpu.memory_space<vmem>>) semaphore(%arg14 : memref<!tpu.dma_semaphore, #tpu.memory_space<semaphore_mem>>) {add = true}
      %mul3A_270 = arith.constant 4 : i32
      %mul3A_271 = arith.muli %mul3A_270, %scan3A_206 : i32
      %add3A_272 = arith.constant 1 : i32
      %add3A_273 = arith.addi %mul3A_271, %add3A_272 : i32
      %add3A_274 = arith.constant 1 : i32
      %add3A_275 = arith.addi %add3A_273, %add3A_274 : i32
      %dma_wait3A_276 = arith.constant 0 : i32
      %dma_wait3A_277 = tpu.memref_slice %arg6[%add3A_275, %dma_wait3A_276] : memref<200x128xi32, #tpu.memory_space<vmem>> -> memref<1x128xi32, #tpu.memory_space<vmem>>
      %dma_wait3A_278 = tpu.memref_squeeze %dma_wait3A_277 : memref<1x128xi32, #tpu.memory_space<vmem>> -> memref<128xi32, #tpu.memory_space<vmem>>
      %dma_wait3A_279 = arith.constant 0 : i32
      %dma_wait3A_280 = arith.constant 0 : i32
      %dma_wait3A_281 = tpu.memref_slice %arg3[%dma_wait3A_279, %dma_wait3A_280] : memref<1000000x64xf32, #tpu.memory_space<hbm>> -> memref<1000000x64xf32, #tpu.memory_space<hbm>>
      tpu.wait_indirect_dma semaphore(%arg13 : memref<!tpu.dma_semaphore, #tpu.memory_space<semaphore_mem>>) src(%dma_wait3A_281 : memref<1000000x64xf32, #tpu.memory_space<hbm>>) dst(%arg9 : memref<128x64xf32, #tpu.memory_space<vmem>>)
      %mul3A_282 = arith.constant 128 : i32
      %mul3A_283 = arith.muli %add3A, %mul3A_282 : i32
      %dma_start3A_284 = arith.constant 0 : i32
      %dma_start3A_285 = tpu.memref_slice %arg5[%add3A_275, %mul3A_283, %dma_start3A_284] : memref<200x4096x64xf32, #tpu.memory_space<hbm>> -> memref<1x128x64xf32, #tpu.memory_space<hbm>>
      %dma_start3A_286 = tpu.memref_squeeze %dma_start3A_285 : memref<1x128x64xf32, #tpu.memory_space<hbm>> -> memref<128x64xf32, #tpu.memory_space<hbm>>
      %dma_start3A_287 = arith.constant 0 : i32
      %dma_start3A_288 = tpu.memref_slice %arg5[%add3A_275, %mul3A_283, %dma_start3A_287] : memref<200x4096x64xf32, #tpu.memory_space<hbm>> -> memref<1x128x64xf32, #tpu.memory_space<hbm>>
      %dma_start3A_289 = tpu.memref_squeeze %dma_start3A_288 : memref<1x128x64xf32, #tpu.memory_space<hbm>> -> memref<128x64xf32, #tpu.memory_space<hbm>>
      tpu.enqueue_dma source(%arg9 : memref<128x64xf32, #tpu.memory_space<vmem>>) target(%dma_start3A_289 : memref<128x64xf32, #tpu.memory_space<hbm>>) target_semaphore(%arg17 : memref<!tpu.dma_semaphore, #tpu.memory_space<semaphore_mem>>)
      %sub3A_290 = arith.constant 1 : i32
      %sub3A_291 = arith.subi %add3A_275, %sub3A_290 : i32
      %mul3A_292 = arith.constant 128 : i32
      %mul3A_293 = arith.muli %add3A, %mul3A_292 : i32
      %dma_wait3A_294 = arith.constant 0 : i32
      %dma_wait3A_295 = tpu.memref_slice %arg5[%sub3A_291, %mul3A_293, %dma_wait3A_294] : memref<200x4096x64xf32, #tpu.memory_space<hbm>> -> memref<1x128x64xf32, #tpu.memory_space<hbm>>
      %dma_wait3A_296 = tpu.memref_squeeze %dma_wait3A_295 : memref<1x128x64xf32, #tpu.memory_space<hbm>> -> memref<128x64xf32, #tpu.memory_space<hbm>>
      %dma_wait3A_297 = arith.constant 0 : i32
      %dma_wait3A_298 = tpu.memref_slice %arg5[%sub3A_291, %mul3A_293, %dma_wait3A_297] : memref<200x4096x64xf32, #tpu.memory_space<hbm>> -> memref<1x128x64xf32, #tpu.memory_space<hbm>>
      %dma_wait3A_299 = tpu.memref_squeeze %dma_wait3A_298 : memref<1x128x64xf32, #tpu.memory_space<hbm>> -> memref<128x64xf32, #tpu.memory_space<hbm>>
      tpu.wait_dma2 semaphore(%arg16 : memref<!tpu.dma_semaphore, #tpu.memory_space<semaphore_mem>>) src(%arg8 : memref<128x64xf32, #tpu.memory_space<vmem>>) dst(%dma_wait3A_299 : memref<128x64xf32, #tpu.memory_space<hbm>>)
      %add3A_300 = arith.constant 4 : i32
      %add3A_301 = arith.addi %add3A_275, %add3A_300 : i32
      %sub3A_302 = arith.constant 1 : i32
      %sub3A_303 = arith.subi %add3A_301, %sub3A_302 : i32
      %dma_start3A_304 = arith.constant 0 : i32
      %dma_start3A_305 = arith.constant 0 : i32
      %dma_start3A_306 = tpu.memref_slice %arg4[%sub3A_303, %dma_start3A_304, %dma_start3A_305] : memref<200x128x64xf32, #tpu.memory_space<hbm>> -> memref<1x128x64xf32, #tpu.memory_space<hbm>>
      %dma_start3A_307 = tpu.memref_squeeze %dma_start3A_306 : memref<1x128x64xf32, #tpu.memory_space<hbm>> -> memref<128x64xf32, #tpu.memory_space<hbm>>
      %dma_start3A_308 = arith.constant 0 : i32
      %dma_start3A_309 = arith.constant 0 : i32
      %dma_start3A_310 = tpu.memref_slice %arg4[%sub3A_303, %dma_start3A_308, %dma_start3A_309] : memref<200x128x64xf32, #tpu.memory_space<hbm>> -> memref<1x128x64xf32, #tpu.memory_space<hbm>>
      %dma_start3A_311 = tpu.memref_squeeze %dma_start3A_310 : memref<1x128x64xf32, #tpu.memory_space<hbm>> -> memref<128x64xf32, #tpu.memory_space<hbm>>
      tpu.enqueue_dma source(%dma_start3A_311 : memref<128x64xf32, #tpu.memory_space<hbm>>) target(%arg8 : memref<128x64xf32, #tpu.memory_space<vmem>>) target_semaphore(%arg20 : memref<!tpu.dma_semaphore, #tpu.memory_space<semaphore_mem>>)
      %add3A_312 = arith.constant 4 : i32
      %add3A_313 = arith.addi %add3A_275, %add3A_312 : i32
      %sub3A_314 = arith.constant 2 : i32
      %sub3A_315 = arith.subi %add3A_313, %sub3A_314 : i32
      %dma_wait3A_316 = arith.constant 0 : i32
      %dma_wait3A_317 = arith.constant 0 : i32
      %dma_wait3A_318 = tpu.memref_slice %arg4[%sub3A_315, %dma_wait3A_316, %dma_wait3A_317] : memref<200x128x64xf32, #tpu.memory_space<hbm>> -> memref<1x128x64xf32, #tpu.memory_space<hbm>>
      %dma_wait3A_319 = tpu.memref_squeeze %dma_wait3A_318 : memref<1x128x64xf32, #tpu.memory_space<hbm>> -> memref<128x64xf32, #tpu.memory_space<hbm>>
      %dma_wait3A_320 = arith.constant 0 : i32
      %dma_wait3A_321 = arith.constant 0 : i32
      %dma_wait3A_322 = tpu.memref_slice %arg4[%sub3A_315, %dma_wait3A_320, %dma_wait3A_321] : memref<200x128x64xf32, #tpu.memory_space<hbm>> -> memref<1x128x64xf32, #tpu.memory_space<hbm>>
      %dma_wait3A_323 = tpu.memref_squeeze %dma_wait3A_322 : memref<1x128x64xf32, #tpu.memory_space<hbm>> -> memref<128x64xf32, #tpu.memory_space<hbm>>
      tpu.wait_dma2 semaphore(%arg19 : memref<!tpu.dma_semaphore, #tpu.memory_space<semaphore_mem>>) src(%dma_wait3A_323 : memref<128x64xf32, #tpu.memory_space<hbm>>) dst(%arg7 : memref<128x64xf32, #tpu.memory_space<vmem>>)
      %add3A_324 = arith.constant 4 : i32
      %add3A_325 = arith.addi %add3A_275, %add3A_324 : i32
      %sub3A_326 = arith.constant 2 : i32
      %sub3A_327 = arith.subi %add3A_325, %sub3A_326 : i32
      %dma_start3A_328 = arith.constant 0 : i32
      %dma_start3A_329 = tpu.memref_slice %arg6[%sub3A_327, %dma_start3A_328] : memref<200x128xi32, #tpu.memory_space<vmem>> -> memref<1x128xi32, #tpu.memory_space<vmem>>
      %dma_start3A_330 = tpu.memref_squeeze %dma_start3A_329 : memref<1x128xi32, #tpu.memory_space<vmem>> -> memref<128xi32, #tpu.memory_space<vmem>>
      %dma_start3A_331 = arith.constant 0 : i32
      %dma_start3A_332 = arith.constant 0 : i32
      %dma_start3A_333 = tpu.memref_slice %arg3[%dma_start3A_331, %dma_start3A_332] : memref<1000000x64xf32, #tpu.memory_space<hbm>> -> memref<1000000x64xf32, #tpu.memory_space<hbm>>
      tpu.enqueue_indirect_dma source(%dma_start3A_333 : memref<1000000x64xf32, #tpu.memory_space<hbm>>) target(%arg7 : memref<128x64xf32, #tpu.memory_space<vmem>>) offsets(%dma_start3A_330 : memref<128xi32, #tpu.memory_space<vmem>>) semaphore(%arg11 : memref<!tpu.dma_semaphore, #tpu.memory_space<semaphore_mem>>) {add = true}
      %mul3A_334 = arith.constant 4 : i32
      %mul3A_335 = arith.muli %mul3A_334, %scan3A_206 : i32
      %add3A_336 = arith.constant 1 : i32
      %add3A_337 = arith.addi %mul3A_335, %add3A_336 : i32
      %add3A_338 = arith.constant 2 : i32
      %add3A_339 = arith.addi %add3A_337, %add3A_338 : i32
      %dma_wait3A_340 = arith.constant 0 : i32
      %dma_wait3A_341 = tpu.memref_slice %arg6[%add3A_339, %dma_wait3A_340] : memref<200x128xi32, #tpu.memory_space<vmem>> -> memref<1x128xi32, #tpu.memory_space<vmem>>
      %dma_wait3A_342 = tpu.memref_squeeze %dma_wait3A_341 : memref<1x128xi32, #tpu.memory_space<vmem>> -> memref<128xi32, #tpu.memory_space<vmem>>
      %dma_wait3A_343 = arith.constant 0 : i32
      %dma_wait3A_344 = arith.constant 0 : i32
      %dma_wait3A_345 = tpu.memref_slice %arg3[%dma_wait3A_343, %dma_wait3A_344] : memref<1000000x64xf32, #tpu.memory_space<hbm>> -> memref<1000000x64xf32, #tpu.memory_space<hbm>>
      tpu.wait_indirect_dma semaphore(%arg14 : memref<!tpu.dma_semaphore, #tpu.memory_space<semaphore_mem>>) src(%dma_wait3A_345 : memref<1000000x64xf32, #tpu.memory_space<hbm>>) dst(%arg10 : memref<128x64xf32, #tpu.memory_space<vmem>>)
      %mul3A_346 = arith.constant 128 : i32
      %mul3A_347 = arith.muli %add3A, %mul3A_346 : i32
      %dma_start3A_348 = arith.constant 0 : i32
      %dma_start3A_349 = tpu.memref_slice %arg5[%add3A_339, %mul3A_347, %dma_start3A_348] : memref<200x4096x64xf32, #tpu.memory_space<hbm>> -> memref<1x128x64xf32, #tpu.memory_space<hbm>>
      %dma_start3A_350 = tpu.memref_squeeze %dma_start3A_349 : memref<1x128x64xf32, #tpu.memory_space<hbm>> -> memref<128x64xf32, #tpu.memory_space<hbm>>
      %dma_start3A_351 = arith.constant 0 : i32
      %dma_start3A_352 = tpu.memref_slice %arg5[%add3A_339, %mul3A_347, %dma_start3A_351] : memref<200x4096x64xf32, #tpu.memory_space<hbm>> -> memref<1x128x64xf32, #tpu.memory_space<hbm>>
      %dma_start3A_353 = tpu.memref_squeeze %dma_start3A_352 : memref<1x128x64xf32, #tpu.memory_space<hbm>> -> memref<128x64xf32, #tpu.memory_space<hbm>>
      tpu.enqueue_dma source(%arg10 : memref<128x64xf32, #tpu.memory_space<vmem>>) target(%dma_start3A_353 : memref<128x64xf32, #tpu.memory_space<hbm>>) target_semaphore(%arg18 : memref<!tpu.dma_semaphore, #tpu.memory_space<semaphore_mem>>)
      %sub3A_354 = arith.constant 1 : i32
      %sub3A_355 = arith.subi %add3A_339, %sub3A_354 : i32
      %mul3A_356 = arith.constant 128 : i32
      %mul3A_357 = arith.muli %add3A, %mul3A_356 : i32
      %dma_wait3A_358 = arith.constant 0 : i32
      %dma_wait3A_359 = tpu.memref_slice %arg5[%sub3A_355, %mul3A_357, %dma_wait3A_358] : memref<200x4096x64xf32, #tpu.memory_space<hbm>> -> memref<1x128x64xf32, #tpu.memory_space<hbm>>
      %dma_wait3A_360 = tpu.memref_squeeze %dma_wait3A_359 : memref<1x128x64xf32, #tpu.memory_space<hbm>> -> memref<128x64xf32, #tpu.memory_space<hbm>>
      %dma_wait3A_361 = arith.constant 0 : i32
      %dma_wait3A_362 = tpu.memref_slice %arg5[%sub3A_355, %mul3A_357, %dma_wait3A_361] : memref<200x4096x64xf32, #tpu.memory_space<hbm>> -> memref<1x128x64xf32, #tpu.memory_space<hbm>>
      %dma_wait3A_363 = tpu.memref_squeeze %dma_wait3A_362 : memref<1x128x64xf32, #tpu.memory_space<hbm>> -> memref<128x64xf32, #tpu.memory_space<hbm>>
      tpu.wait_dma2 semaphore(%arg17 : memref<!tpu.dma_semaphore, #tpu.memory_space<semaphore_mem>>) src(%arg9 : memref<128x64xf32, #tpu.memory_space<vmem>>) dst(%dma_wait3A_363 : memref<128x64xf32, #tpu.memory_space<hbm>>)
      %add3A_364 = arith.constant 4 : i32
      %add3A_365 = arith.addi %add3A_339, %add3A_364 : i32
      %sub3A_366 = arith.constant 1 : i32
      %sub3A_367 = arith.subi %add3A_365, %sub3A_366 : i32
      %dma_start3A_368 = arith.constant 0 : i32
      %dma_start3A_369 = arith.constant 0 : i32
      %dma_start3A_370 = tpu.memref_slice %arg4[%sub3A_367, %dma_start3A_368, %dma_start3A_369] : memref<200x128x64xf32, #tpu.memory_space<hbm>> -> memref<1x128x64xf32, #tpu.memory_space<hbm>>
      %dma_start3A_371 = tpu.memref_squeeze %dma_start3A_370 : memref<1x128x64xf32, #tpu.memory_space<hbm>> -> memref<128x64xf32, #tpu.memory_space<hbm>>
      %dma_start3A_372 = arith.constant 0 : i32
      %dma_start3A_373 = arith.constant 0 : i32
      %dma_start3A_374 = tpu.memref_slice %arg4[%sub3A_367, %dma_start3A_372, %dma_start3A_373] : memref<200x128x64xf32, #tpu.memory_space<hbm>> -> memref<1x128x64xf32, #tpu.memory_space<hbm>>
      %dma_start3A_375 = tpu.memref_squeeze %dma_start3A_374 : memref<1x128x64xf32, #tpu.memory_space<hbm>> -> memref<128x64xf32, #tpu.memory_space<hbm>>
      tpu.enqueue_dma source(%dma_start3A_375 : memref<128x64xf32, #tpu.memory_space<hbm>>) target(%arg9 : memref<128x64xf32, #tpu.memory_space<vmem>>) target_semaphore(%arg21 : memref<!tpu.dma_semaphore, #tpu.memory_space<semaphore_mem>>)
      %add3A_376 = arith.constant 4 : i32
      %add3A_377 = arith.addi %add3A_339, %add3A_376 : i32
      %sub3A_378 = arith.constant 2 : i32
      %sub3A_379 = arith.subi %add3A_377, %sub3A_378 : i32
      %dma_wait3A_380 = arith.constant 0 : i32
      %dma_wait3A_381 = arith.constant 0 : i32
      %dma_wait3A_382 = tpu.memref_slice %arg4[%sub3A_379, %dma_wait3A_380, %dma_wait3A_381] : memref<200x128x64xf32, #tpu.memory_space<hbm>> -> memref<1x128x64xf32, #tpu.memory_space<hbm>>
      %dma_wait3A_383 = tpu.memref_squeeze %dma_wait3A_382 : memref<1x128x64xf32, #tpu.memory_space<hbm>> -> memref<128x64xf32, #tpu.memory_space<hbm>>
      %dma_wait3A_384 = arith.constant 0 : i32
      %dma_wait3A_385 = arith.constant 0 : i32
      %dma_wait3A_386 = tpu.memref_slice %arg4[%sub3A_379, %dma_wait3A_384, %dma_wait3A_385] : memref<200x128x64xf32, #tpu.memory_space<hbm>> -> memref<1x128x64xf32, #tpu.memory_space<hbm>>
      %dma_wait3A_387 = tpu.memref_squeeze %dma_wait3A_386 : memref<1x128x64xf32, #tpu.memory_space<hbm>> -> memref<128x64xf32, #tpu.memory_space<hbm>>
      tpu.wait_dma2 semaphore(%arg20 : memref<!tpu.dma_semaphore, #tpu.memory_space<semaphore_mem>>) src(%dma_wait3A_387 : memref<128x64xf32, #tpu.memory_space<hbm>>) dst(%arg8 : memref<128x64xf32, #tpu.memory_space<vmem>>)
      %add3A_388 = arith.constant 4 : i32
      %add3A_389 = arith.addi %add3A_339, %add3A_388 : i32
      %sub3A_390 = arith.constant 2 : i32
      %sub3A_391 = arith.subi %add3A_389, %sub3A_390 : i32
      %dma_start3A_392 = arith.constant 0 : i32
      %dma_start3A_393 = tpu.memref_slice %arg6[%sub3A_391, %dma_start3A_392] : memref<200x128xi32, #tpu.memory_space<vmem>> -> memref<1x128xi32, #tpu.memory_space<vmem>>
      %dma_start3A_394 = tpu.memref_squeeze %dma_start3A_393 : memref<1x128xi32, #tpu.memory_space<vmem>> -> memref<128xi32, #tpu.memory_space<vmem>>
      %dma_start3A_395 = arith.constant 0 : i32
      %dma_start3A_396 = arith.constant 0 : i32
      %dma_start3A_397 = tpu.memref_slice %arg3[%dma_start3A_395, %dma_start3A_396] : memref<1000000x64xf32, #tpu.memory_space<hbm>> -> memref<1000000x64xf32, #tpu.memory_space<hbm>>
      tpu.enqueue_indirect_dma source(%dma_start3A_397 : memref<1000000x64xf32, #tpu.memory_space<hbm>>) target(%arg8 : memref<128x64xf32, #tpu.memory_space<vmem>>) offsets(%dma_start3A_394 : memref<128xi32, #tpu.memory_space<vmem>>) semaphore(%arg12 : memref<!tpu.dma_semaphore, #tpu.memory_space<semaphore_mem>>) {add = true}
      %mul3A_398 = arith.constant 4 : i32
      %mul3A_399 = arith.muli %mul3A_398, %scan3A_206 : i32
      %add3A_400 = arith.constant 1 : i32
      %add3A_401 = arith.addi %mul3A_399, %add3A_400 : i32
      %add3A_402 = arith.constant 3 : i32
      %add3A_403 = arith.addi %add3A_401, %add3A_402 : i32
      %dma_wait3A_404 = arith.constant 0 : i32
      %dma_wait3A_405 = tpu.memref_slice %arg6[%add3A_403, %dma_wait3A_404] : memref<200x128xi32, #tpu.memory_space<vmem>> -> memref<1x128xi32, #tpu.memory_space<vmem>>
      %dma_wait3A_406 = tpu.memref_squeeze %dma_wait3A_405 : memref<1x128xi32, #tpu.memory_space<vmem>> -> memref<128xi32, #tpu.memory_space<vmem>>
      %dma_wait3A_407 = arith.constant 0 : i32
      %dma_wait3A_408 = arith.constant 0 : i32
      %dma_wait3A_409 = tpu.memref_slice %arg3[%dma_wait3A_407, %dma_wait3A_408] : memref<1000000x64xf32, #tpu.memory_space<hbm>> -> memref<1000000x64xf32, #tpu.memory_space<hbm>>
      tpu.wait_indirect_dma semaphore(%arg11 : memref<!tpu.dma_semaphore, #tpu.memory_space<semaphore_mem>>) src(%dma_wait3A_409 : memref<1000000x64xf32, #tpu.memory_space<hbm>>) dst(%arg7 : memref<128x64xf32, #tpu.memory_space<vmem>>)
      %mul3A_410 = arith.constant 128 : i32
      %mul3A_411 = arith.muli %add3A, %mul3A_410 : i32
      %dma_start3A_412 = arith.constant 0 : i32
      %dma_start3A_413 = tpu.memref_slice %arg5[%add3A_403, %mul3A_411, %dma_start3A_412] : memref<200x4096x64xf32, #tpu.memory_space<hbm>> -> memref<1x128x64xf32, #tpu.memory_space<hbm>>
      %dma_start3A_414 = tpu.memref_squeeze %dma_start3A_413 : memref<1x128x64xf32, #tpu.memory_space<hbm>> -> memref<128x64xf32, #tpu.memory_space<hbm>>
      %dma_start3A_415 = arith.constant 0 : i32
      %dma_start3A_416 = tpu.memref_slice %arg5[%add3A_403, %mul3A_411, %dma_start3A_415] : memref<200x4096x64xf32, #tpu.memory_space<hbm>> -> memref<1x128x64xf32, #tpu.memory_space<hbm>>
      %dma_start3A_417 = tpu.memref_squeeze %dma_start3A_416 : memref<1x128x64xf32, #tpu.memory_space<hbm>> -> memref<128x64xf32, #tpu.memory_space<hbm>>
      tpu.enqueue_dma source(%arg7 : memref<128x64xf32, #tpu.memory_space<vmem>>) target(%dma_start3A_417 : memref<128x64xf32, #tpu.memory_space<hbm>>) target_semaphore(%arg15 : memref<!tpu.dma_semaphore, #tpu.memory_space<semaphore_mem>>)
      %sub3A_418 = arith.constant 1 : i32
      %sub3A_419 = arith.subi %add3A_403, %sub3A_418 : i32
      %mul3A_420 = arith.constant 128 : i32
      %mul3A_421 = arith.muli %add3A, %mul3A_420 : i32
      %dma_wait3A_422 = arith.constant 0 : i32
      %dma_wait3A_423 = tpu.memref_slice %arg5[%sub3A_419, %mul3A_421, %dma_wait3A_422] : memref<200x4096x64xf32, #tpu.memory_space<hbm>> -> memref<1x128x64xf32, #tpu.memory_space<hbm>>
      %dma_wait3A_424 = tpu.memref_squeeze %dma_wait3A_423 : memref<1x128x64xf32, #tpu.memory_space<hbm>> -> memref<128x64xf32, #tpu.memory_space<hbm>>
      %dma_wait3A_425 = arith.constant 0 : i32
      %dma_wait3A_426 = tpu.memref_slice %arg5[%sub3A_419, %mul3A_421, %dma_wait3A_425] : memref<200x4096x64xf32, #tpu.memory_space<hbm>> -> memref<1x128x64xf32, #tpu.memory_space<hbm>>
      %dma_wait3A_427 = tpu.memref_squeeze %dma_wait3A_426 : memref<1x128x64xf32, #tpu.memory_space<hbm>> -> memref<128x64xf32, #tpu.memory_space<hbm>>
      tpu.wait_dma2 semaphore(%arg18 : memref<!tpu.dma_semaphore, #tpu.memory_space<semaphore_mem>>) src(%arg10 : memref<128x64xf32, #tpu.memory_space<vmem>>) dst(%dma_wait3A_427 : memref<128x64xf32, #tpu.memory_space<hbm>>)
      %add3A_428 = arith.constant 4 : i32
      %add3A_429 = arith.addi %add3A_403, %add3A_428 : i32
      %sub3A_430 = arith.constant 1 : i32
      %sub3A_431 = arith.subi %add3A_429, %sub3A_430 : i32
      %dma_start3A_432 = arith.constant 0 : i32
      %dma_start3A_433 = arith.constant 0 : i32
      %dma_start3A_434 = tpu.memref_slice %arg4[%sub3A_431, %dma_start3A_432, %dma_start3A_433] : memref<200x128x64xf32, #tpu.memory_space<hbm>> -> memref<1x128x64xf32, #tpu.memory_space<hbm>>
      %dma_start3A_435 = tpu.memref_squeeze %dma_start3A_434 : memref<1x128x64xf32, #tpu.memory_space<hbm>> -> memref<128x64xf32, #tpu.memory_space<hbm>>
      %dma_start3A_436 = arith.constant 0 : i32
      %dma_start3A_437 = arith.constant 0 : i32
      %dma_start3A_438 = tpu.memref_slice %arg4[%sub3A_431, %dma_start3A_436, %dma_start3A_437] : memref<200x128x64xf32, #tpu.memory_space<hbm>> -> memref<1x128x64xf32, #tpu.memory_space<hbm>>
      %dma_start3A_439 = tpu.memref_squeeze %dma_start3A_438 : memref<1x128x64xf32, #tpu.memory_space<hbm>> -> memref<128x64xf32, #tpu.memory_space<hbm>>
      tpu.enqueue_dma source(%dma_start3A_439 : memref<128x64xf32, #tpu.memory_space<hbm>>) target(%arg10 : memref<128x64xf32, #tpu.memory_space<vmem>>) target_semaphore(%arg22 : memref<!tpu.dma_semaphore, #tpu.memory_space<semaphore_mem>>)
      %add3A_440 = arith.constant 4 : i32
      %add3A_441 = arith.addi %add3A_403, %add3A_440 : i32
      %sub3A_442 = arith.constant 2 : i32
      %sub3A_443 = arith.subi %add3A_441, %sub3A_442 : i32
      %dma_wait3A_444 = arith.constant 0 : i32
      %dma_wait3A_445 = arith.constant 0 : i32
      %dma_wait3A_446 = tpu.memref_slice %arg4[%sub3A_443, %dma_wait3A_444, %dma_wait3A_445] : memref<200x128x64xf32, #tpu.memory_space<hbm>> -> memref<1x128x64xf32, #tpu.memory_space<hbm>>
      %dma_wait3A_447 = tpu.memref_squeeze %dma_wait3A_446 : memref<1x128x64xf32, #tpu.memory_space<hbm>> -> memref<128x64xf32, #tpu.memory_space<hbm>>
      %dma_wait3A_448 = arith.constant 0 : i32
      %dma_wait3A_449 = arith.constant 0 : i32
      %dma_wait3A_450 = tpu.memref_slice %arg4[%sub3A_443, %dma_wait3A_448, %dma_wait3A_449] : memref<200x128x64xf32, #tpu.memory_space<hbm>> -> memref<1x128x64xf32, #tpu.memory_space<hbm>>
      %dma_wait3A_451 = tpu.memref_squeeze %dma_wait3A_450 : memref<1x128x64xf32, #tpu.memory_space<hbm>> -> memref<128x64xf32, #tpu.memory_space<hbm>>
      tpu.wait_dma2 semaphore(%arg21 : memref<!tpu.dma_semaphore, #tpu.memory_space<semaphore_mem>>) src(%dma_wait3A_451 : memref<128x64xf32, #tpu.memory_space<hbm>>) dst(%arg9 : memref<128x64xf32, #tpu.memory_space<vmem>>)
      %add3A_452 = arith.constant 4 : i32
      %add3A_453 = arith.addi %add3A_403, %add3A_452 : i32
      %sub3A_454 = arith.constant 2 : i32
      %sub3A_455 = arith.subi %add3A_453, %sub3A_454 : i32
      %dma_start3A_456 = arith.constant 0 : i32
      %dma_start3A_457 = tpu.memref_slice %arg6[%sub3A_455, %dma_start3A_456] : memref<200x128xi32, #tpu.memory_space<vmem>> -> memref<1x128xi32, #tpu.memory_space<vmem>>
      %dma_start3A_458 = tpu.memref_squeeze %dma_start3A_457 : memref<1x128xi32, #tpu.memory_space<vmem>> -> memref<128xi32, #tpu.memory_space<vmem>>
      %dma_start3A_459 = arith.constant 0 : i32
      %dma_start3A_460 = arith.constant 0 : i32
      %dma_start3A_461 = tpu.memref_slice %arg3[%dma_start3A_459, %dma_start3A_460] : memref<1000000x64xf32, #tpu.memory_space<hbm>> -> memref<1000000x64xf32, #tpu.memory_space<hbm>>
      tpu.enqueue_indirect_dma source(%dma_start3A_461 : memref<1000000x64xf32, #tpu.memory_space<hbm>>) target(%arg9 : memref<128x64xf32, #tpu.memory_space<vmem>>) offsets(%dma_start3A_458 : memref<128xi32, #tpu.memory_space<vmem>>) semaphore(%arg13 : memref<!tpu.dma_semaphore, #tpu.memory_space<semaphore_mem>>) {add = true}
    }
    %scan3A_105 = arith.constant 49 : i32
    %dma_wait3A_106 = arith.constant 197 : i32
    %dma_wait3A_107 = arith.constant 0 : i32
    %dma_wait3A_108 = tpu.memref_slice %arg6[%dma_wait3A_106, %dma_wait3A_107] : memref<200x128xi32, #tpu.memory_space<vmem>> -> memref<1x128xi32, #tpu.memory_space<vmem>>
    %dma_wait3A_109 = tpu.memref_squeeze %dma_wait3A_108 : memref<1x128xi32, #tpu.memory_space<vmem>> -> memref<128xi32, #tpu.memory_space<vmem>>
    %dma_wait3A_110 = arith.constant 0 : i32
    %dma_wait3A_111 = arith.constant 0 : i32
    %dma_wait3A_112 = tpu.memref_slice %arg3[%dma_wait3A_110, %dma_wait3A_111] : memref<1000000x64xf32, #tpu.memory_space<hbm>> -> memref<1000000x64xf32, #tpu.memory_space<hbm>>
    tpu.wait_indirect_dma semaphore(%arg12 : memref<!tpu.dma_semaphore, #tpu.memory_space<semaphore_mem>>) src(%dma_wait3A_112 : memref<1000000x64xf32, #tpu.memory_space<hbm>>) dst(%arg8 : memref<128x64xf32, #tpu.memory_space<vmem>>)
    %mul3A_113 = arith.constant 128 : i32
    %mul3A_114 = arith.muli %add3A, %mul3A_113 : i32
    %dma_start3A_115 = arith.constant 197 : i32
    %dma_start3A_116 = arith.constant 0 : i32
    %dma_start3A_117 = tpu.memref_slice %arg5[%dma_start3A_115, %mul3A_114, %dma_start3A_116] : memref<200x4096x64xf32, #tpu.memory_space<hbm>> -> memref<1x128x64xf32, #tpu.memory_space<hbm>>
    %dma_start3A_118 = tpu.memref_squeeze %dma_start3A_117 : memref<1x128x64xf32, #tpu.memory_space<hbm>> -> memref<128x64xf32, #tpu.memory_space<hbm>>
    %dma_start3A_119 = arith.constant 0 : i32
    %dma_start3A_120 = tpu.memref_slice %arg5[%dma_start3A_115, %mul3A_114, %dma_start3A_119] : memref<200x4096x64xf32, #tpu.memory_space<hbm>> -> memref<1x128x64xf32, #tpu.memory_space<hbm>>
    %dma_start3A_121 = tpu.memref_squeeze %dma_start3A_120 : memref<1x128x64xf32, #tpu.memory_space<hbm>> -> memref<128x64xf32, #tpu.memory_space<hbm>>
    tpu.enqueue_dma source(%arg8 : memref<128x64xf32, #tpu.memory_space<vmem>>) target(%dma_start3A_121 : memref<128x64xf32, #tpu.memory_space<hbm>>) target_semaphore(%arg16 : memref<!tpu.dma_semaphore, #tpu.memory_space<semaphore_mem>>)
    %dma_wait3A_122 = arith.constant 199 : i32
    %dma_wait3A_123 = arith.constant 0 : i32
    %dma_wait3A_124 = arith.constant 0 : i32
    %dma_wait3A_125 = tpu.memref_slice %arg4[%dma_wait3A_122, %dma_wait3A_123, %dma_wait3A_124] : memref<200x128x64xf32, #tpu.memory_space<hbm>> -> memref<1x128x64xf32, #tpu.memory_space<hbm>>
    %dma_wait3A_126 = tpu.memref_squeeze %dma_wait3A_125 : memref<1x128x64xf32, #tpu.memory_space<hbm>> -> memref<128x64xf32, #tpu.memory_space<hbm>>
    %dma_wait3A_127 = arith.constant 0 : i32
    %dma_wait3A_128 = arith.constant 0 : i32
    %dma_wait3A_129 = tpu.memref_slice %arg4[%dma_wait3A_122, %dma_wait3A_127, %dma_wait3A_128] : memref<200x128x64xf32, #tpu.memory_space<hbm>> -> memref<1x128x64xf32, #tpu.memory_space<hbm>>
    %dma_wait3A_130 = tpu.memref_squeeze %dma_wait3A_129 : memref<1x128x64xf32, #tpu.memory_space<hbm>> -> memref<128x64xf32, #tpu.memory_space<hbm>>
    tpu.wait_dma2 semaphore(%arg22 : memref<!tpu.dma_semaphore, #tpu.memory_space<semaphore_mem>>) src(%dma_wait3A_130 : memref<128x64xf32, #tpu.memory_space<hbm>>) dst(%arg10 : memref<128x64xf32, #tpu.memory_space<vmem>>)
    %dma_start3A_131 = arith.constant 199 : i32
    %dma_start3A_132 = arith.constant 0 : i32
    %dma_start3A_133 = tpu.memref_slice %arg6[%dma_start3A_131, %dma_start3A_132] : memref<200x128xi32, #tpu.memory_space<vmem>> -> memref<1x128xi32, #tpu.memory_space<vmem>>
    %dma_start3A_134 = tpu.memref_squeeze %dma_start3A_133 : memref<1x128xi32, #tpu.memory_space<vmem>> -> memref<128xi32, #tpu.memory_space<vmem>>
    %dma_start3A_135 = arith.constant 0 : i32
    %dma_start3A_136 = arith.constant 0 : i32
    %dma_start3A_137 = tpu.memref_slice %arg3[%dma_start3A_135, %dma_start3A_136] : memref<1000000x64xf32, #tpu.memory_space<hbm>> -> memref<1000000x64xf32, #tpu.memory_space<hbm>>
    tpu.enqueue_indirect_dma source(%dma_start3A_137 : memref<1000000x64xf32, #tpu.memory_space<hbm>>) target(%arg10 : memref<128x64xf32, #tpu.memory_space<vmem>>) offsets(%dma_start3A_134 : memref<128xi32, #tpu.memory_space<vmem>>) semaphore(%arg14 : memref<!tpu.dma_semaphore, #tpu.memory_space<semaphore_mem>>) {add = true}
    %dma_wait3A_138 = arith.constant 198 : i32
    %dma_wait3A_139 = arith.constant 0 : i32
    %dma_wait3A_140 = tpu.memref_slice %arg6[%dma_wait3A_138, %dma_wait3A_139] : memref<200x128xi32, #tpu.memory_space<vmem>> -> memref<1x128xi32, #tpu.memory_space<vmem>>
    %dma_wait3A_141 = tpu.memref_squeeze %dma_wait3A_140 : memref<1x128xi32, #tpu.memory_space<vmem>> -> memref<128xi32, #tpu.memory_space<vmem>>
    %dma_wait3A_142 = arith.constant 0 : i32
    %dma_wait3A_143 = arith.constant 0 : i32
    %dma_wait3A_144 = tpu.memref_slice %arg3[%dma_wait3A_142, %dma_wait3A_143] : memref<1000000x64xf32, #tpu.memory_space<hbm>> -> memref<1000000x64xf32, #tpu.memory_space<hbm>>
    tpu.wait_indirect_dma semaphore(%arg13 : memref<!tpu.dma_semaphore, #tpu.memory_space<semaphore_mem>>) src(%dma_wait3A_144 : memref<1000000x64xf32, #tpu.memory_space<hbm>>) dst(%arg9 : memref<128x64xf32, #tpu.memory_space<vmem>>)
    %mul3A_145 = arith.constant 128 : i32
    %mul3A_146 = arith.muli %add3A, %mul3A_145 : i32
    %dma_start3A_147 = arith.constant 198 : i32
    %dma_start3A_148 = arith.constant 0 : i32
    %dma_start3A_149 = tpu.memref_slice %arg5[%dma_start3A_147, %mul3A_146, %dma_start3A_148] : memref<200x4096x64xf32, #tpu.memory_space<hbm>> -> memref<1x128x64xf32, #tpu.memory_space<hbm>>
    %dma_start3A_150 = tpu.memref_squeeze %dma_start3A_149 : memref<1x128x64xf32, #tpu.memory_space<hbm>> -> memref<128x64xf32, #tpu.memory_space<hbm>>
    %dma_start3A_151 = arith.constant 0 : i32
    %dma_start3A_152 = tpu.memref_slice %arg5[%dma_start3A_147, %mul3A_146, %dma_start3A_151] : memref<200x4096x64xf32, #tpu.memory_space<hbm>> -> memref<1x128x64xf32, #tpu.memory_space<hbm>>
    %dma_start3A_153 = tpu.memref_squeeze %dma_start3A_152 : memref<1x128x64xf32, #tpu.memory_space<hbm>> -> memref<128x64xf32, #tpu.memory_space<hbm>>
    tpu.enqueue_dma source(%arg9 : memref<128x64xf32, #tpu.memory_space<vmem>>) target(%dma_start3A_153 : memref<128x64xf32, #tpu.memory_space<hbm>>) target_semaphore(%arg17 : memref<!tpu.dma_semaphore, #tpu.memory_space<semaphore_mem>>)
    %dma_wait3A_154 = arith.constant 199 : i32
    %dma_wait3A_155 = arith.constant 0 : i32
    %dma_wait3A_156 = tpu.memref_slice %arg6[%dma_wait3A_154, %dma_wait3A_155] : memref<200x128xi32, #tpu.memory_space<vmem>> -> memref<1x128xi32, #tpu.memory_space<vmem>>
    %dma_wait3A_157 = tpu.memref_squeeze %dma_wait3A_156 : memref<1x128xi32, #tpu.memory_space<vmem>> -> memref<128xi32, #tpu.memory_space<vmem>>
    %dma_wait3A_158 = arith.constant 0 : i32
    %dma_wait3A_159 = arith.constant 0 : i32
    %dma_wait3A_160 = tpu.memref_slice %arg3[%dma_wait3A_158, %dma_wait3A_159] : memref<1000000x64xf32, #tpu.memory_space<hbm>> -> memref<1000000x64xf32, #tpu.memory_space<hbm>>
    tpu.wait_indirect_dma semaphore(%arg14 : memref<!tpu.dma_semaphore, #tpu.memory_space<semaphore_mem>>) src(%dma_wait3A_160 : memref<1000000x64xf32, #tpu.memory_space<hbm>>) dst(%arg10 : memref<128x64xf32, #tpu.memory_space<vmem>>)
    %mul3A_161 = arith.constant 128 : i32
    %mul3A_162 = arith.muli %add3A, %mul3A_161 : i32
    %dma_start3A_163 = arith.constant 199 : i32
    %dma_start3A_164 = arith.constant 0 : i32
    %dma_start3A_165 = tpu.memref_slice %arg5[%dma_start3A_163, %mul3A_162, %dma_start3A_164] : memref<200x4096x64xf32, #tpu.memory_space<hbm>> -> memref<1x128x64xf32, #tpu.memory_space<hbm>>
    %dma_start3A_166 = tpu.memref_squeeze %dma_start3A_165 : memref<1x128x64xf32, #tpu.memory_space<hbm>> -> memref<128x64xf32, #tpu.memory_space<hbm>>
    %dma_start3A_167 = arith.constant 0 : i32
    %dma_start3A_168 = tpu.memref_slice %arg5[%dma_start3A_163, %mul3A_162, %dma_start3A_167] : memref<200x4096x64xf32, #tpu.memory_space<hbm>> -> memref<1x128x64xf32, #tpu.memory_space<hbm>>
    %dma_start3A_169 = tpu.memref_squeeze %dma_start3A_168 : memref<1x128x64xf32, #tpu.memory_space<hbm>> -> memref<128x64xf32, #tpu.memory_space<hbm>>
    tpu.enqueue_dma source(%arg10 : memref<128x64xf32, #tpu.memory_space<vmem>>) target(%dma_start3A_169 : memref<128x64xf32, #tpu.memory_space<hbm>>) target_semaphore(%arg18 : memref<!tpu.dma_semaphore, #tpu.memory_space<semaphore_mem>>)
    %mul3A_170 = arith.constant 128 : i32
    %mul3A_171 = arith.muli %add3A, %mul3A_170 : i32
    %dma_wait3A_172 = arith.constant 196 : i32
    %dma_wait3A_173 = arith.constant 0 : i32
    %dma_wait3A_174 = tpu.memref_slice %arg5[%dma_wait3A_172, %mul3A_171, %dma_wait3A_173] : memref<200x4096x64xf32, #tpu.memory_space<hbm>> -> memref<1x128x64xf32, #tpu.memory_space<hbm>>
    %dma_wait3A_175 = tpu.memref_squeeze %dma_wait3A_174 : memref<1x128x64xf32, #tpu.memory_space<hbm>> -> memref<128x64xf32, #tpu.memory_space<hbm>>
    %dma_wait3A_176 = arith.constant 0 : i32
    %dma_wait3A_177 = tpu.memref_slice %arg5[%dma_wait3A_172, %mul3A_171, %dma_wait3A_176] : memref<200x4096x64xf32, #tpu.memory_space<hbm>> -> memref<1x128x64xf32, #tpu.memory_space<hbm>>
    %dma_wait3A_178 = tpu.memref_squeeze %dma_wait3A_177 : memref<1x128x64xf32, #tpu.memory_space<hbm>> -> memref<128x64xf32, #tpu.memory_space<hbm>>
    tpu.wait_dma2 semaphore(%arg15 : memref<!tpu.dma_semaphore, #tpu.memory_space<semaphore_mem>>) src(%arg7 : memref<128x64xf32, #tpu.memory_space<vmem>>) dst(%dma_wait3A_178 : memref<128x64xf32, #tpu.memory_space<hbm>>)
    %mul3A_179 = arith.constant 128 : i32
    %mul3A_180 = arith.muli %add3A, %mul3A_179 : i32
    %dma_wait3A_181 = arith.constant 197 : i32
    %dma_wait3A_182 = arith.constant 0 : i32
    %dma_wait3A_183 = tpu.memref_slice %arg5[%dma_wait3A_181, %mul3A_180, %dma_wait3A_182] : memref<200x4096x64xf32, #tpu.memory_space<hbm>> -> memref<1x128x64xf32, #tpu.memory_space<hbm>>
    %dma_wait3A_184 = tpu.memref_squeeze %dma_wait3A_183 : memref<1x128x64xf32, #tpu.memory_space<hbm>> -> memref<128x64xf32, #tpu.memory_space<hbm>>
    %dma_wait3A_185 = arith.constant 0 : i32
    %dma_wait3A_186 = tpu.memref_slice %arg5[%dma_wait3A_181, %mul3A_180, %dma_wait3A_185] : memref<200x4096x64xf32, #tpu.memory_space<hbm>> -> memref<1x128x64xf32, #tpu.memory_space<hbm>>
    %dma_wait3A_187 = tpu.memref_squeeze %dma_wait3A_186 : memref<1x128x64xf32, #tpu.memory_space<hbm>> -> memref<128x64xf32, #tpu.memory_space<hbm>>
    tpu.wait_dma2 semaphore(%arg16 : memref<!tpu.dma_semaphore, #tpu.memory_space<semaphore_mem>>) src(%arg8 : memref<128x64xf32, #tpu.memory_space<vmem>>) dst(%dma_wait3A_187 : memref<128x64xf32, #tpu.memory_space<hbm>>)
    %mul3A_188 = arith.constant 128 : i32
    %mul3A_189 = arith.muli %add3A, %mul3A_188 : i32
    %dma_wait3A_190 = arith.constant 198 : i32
    %dma_wait3A_191 = arith.constant 0 : i32
    %dma_wait3A_192 = tpu.memref_slice %arg5[%dma_wait3A_190, %mul3A_189, %dma_wait3A_191] : memref<200x4096x64xf32, #tpu.memory_space<hbm>> -> memref<1x128x64xf32, #tpu.memory_space<hbm>>
    %dma_wait3A_193 = tpu.memref_squeeze %dma_wait3A_192 : memref<1x128x64xf32, #tpu.memory_space<hbm>> -> memref<128x64xf32, #tpu.memory_space<hbm>>
    %dma_wait3A_194 = arith.constant 0 : i32
    %dma_wait3A_195 = tpu.memref_slice %arg5[%dma_wait3A_190, %mul3A_189, %dma_wait3A_194] : memref<200x4096x64xf32, #tpu.memory_space<hbm>> -> memref<1x128x64xf32, #tpu.memory_space<hbm>>
    %dma_wait3A_196 = tpu.memref_squeeze %dma_wait3A_195 : memref<1x128x64xf32, #tpu.memory_space<hbm>> -> memref<128x64xf32, #tpu.memory_space<hbm>>
    tpu.wait_dma2 semaphore(%arg17 : memref<!tpu.dma_semaphore, #tpu.memory_space<semaphore_mem>>) src(%arg9 : memref<128x64xf32, #tpu.memory_space<vmem>>) dst(%dma_wait3A_196 : memref<128x64xf32, #tpu.memory_space<hbm>>)
    %mul3A_197 = arith.constant 128 : i32
    %mul3A_198 = arith.muli %add3A, %mul3A_197 : i32
    %dma_wait3A_199 = arith.constant 199 : i32
    %dma_wait3A_200 = arith.constant 0 : i32
    %dma_wait3A_201 = tpu.memref_slice %arg5[%dma_wait3A_199, %mul3A_198, %dma_wait3A_200] : memref<200x4096x64xf32, #tpu.memory_space<hbm>> -> memref<1x128x64xf32, #tpu.memory_space<hbm>>
    %dma_wait3A_202 = tpu.memref_squeeze %dma_wait3A_201 : memref<1x128x64xf32, #tpu.memory_space<hbm>> -> memref<128x64xf32, #tpu.memory_space<hbm>>
    %dma_wait3A_203 = arith.constant 0 : i32
    %dma_wait3A_204 = tpu.memref_slice %arg5[%dma_wait3A_199, %mul3A_198, %dma_wait3A_203] : memref<200x4096x64xf32, #tpu.memory_space<hbm>> -> memref<1x128x64xf32, #tpu.memory_space<hbm>>
    %dma_wait3A_205 = tpu.memref_squeeze %dma_wait3A_204 : memref<1x128x64xf32, #tpu.memory_space<hbm>> -> memref<128x64xf32, #tpu.memory_space<hbm>>
    tpu.wait_dma2 semaphore(%arg18 : memref<!tpu.dma_semaphore, #tpu.memory_space<semaphore_mem>>) src(%arg10 : memref<128x64xf32, #tpu.memory_space<vmem>>) dst(%dma_wait3A_205 : memref<128x64xf32, #tpu.memory_space<hbm>>)
    return
  }
}

</mosaic_0001>

<sc_bundles>
// kernel: kernel.3.cloned.1.call-start
scs
__scs_entry_jumppad:
0x0: {  	(pc) =	sbr.rel $0x88, $3  }
0x1: {  	(tag) =	ssettag $0x0;
	lr =	simm.s32 $0x1  }
0x2: {  	[smem:$0x3F9E] =	sst lr;
	_ =	strace $0xD0000000  }
0x3: {  	_ = 	snop  }
0x4: {  	_ = 	snop  }
0x5: {  	_ = 	snop  }
0x6: {  	_ = 	snop  }
0x7: {  	_ = 	snop  }
__scs_overlays_trampoline_lowered:
0x8: {  	[smem:$0x3FAD] =	sst s0  }
0x9: {  	[smem:$0x3FAE] =	sst s1  }
0xa: {  	[smem:$0x3FAF] =	sst s2  }
0xb: {  	[smem:$0x3FB0] =	sst s3  }
0xc: {  	[smem:$0x3FB1] =	sst s4  }
0xd: {  	[smem:$0x3FB2] =	sst s5  }
0xe: {  	[smem:$0x3FB3] =	sst s6  }
0xf: {  	[smem:$0x3FB4] =	sst s7  }
0x10: {  	[smem:$0x3FB5] =	sst s8  }
0x11: {  	[smem:$0x3FB6] =	sst s9;
	s0 =	simm.s32 @!p0 $0x0  }
0x12: {  	s1 =	sld [smem:$0x3F9C];
	s0 =	simm.s32 @p0 $0x1  }
0x13: {  	[smem:$0x3FB7] =	sst s0;
	s0 =	simm.s32 @!p1 $0x0  }
0x14: {  	s2 =	sld [smem:$0x3F9B];
	s0 =	simm.s32 @p1 $0x1  }
0x15: {  	[smem:$0x3FB8] =	sst s0;
	s0 =	simm.s32 @!p2 $0x0  }
0x16: {  	s3 =	sld [smem:$0x3FDB];
	s0 =	simm.s32 @p2 $0x1  }
0x17: {  	s4 =	simm.s32 $0x1BF5;
	[smem:$0x3FBA] =	sst s0  }
0x18: {  	s0 =	sld [smem:$0x3F9D];
	_ =	swait.ge [sflag:s4], $0x0  }
0x19: {  	s7 =	sld [smem:$0x3F9E]  }
0x1a: {  	s8 =	sadd.s32 $0xFFFFE003, lr  }
0x1b: {  	s9 =	sadd.s32 $0xFFFFFEF7, lr;
	s5 =	simm.s32 $0xFFFFFFFF;
	p2 =	slt.u32 s8, $0xFFFFF086  }
0x1c: {  	p1 =	slt.u32 s9, $0xF7A;
	s5 =	simm.s32 @!p2 $0x0  }
0x1d: {  	s5 =	simm.s32 @p1 $0x1;
	p0 =	seq.s32 s7, s2  }
0x1e: {  	s7 =	smul.u32 @!p0 $0xF7A, s2;
	p2 =	seq.s32 @!p0 s5, $0x0  }
0x1f: {  	s9 =	smul.u32 $0xF7A, s1;
	s8 =	simm.s32 @!p0 $0x1BF5;
	p2 =	por !p2, p0  }
0x20: {  	[sflag:s8] =	ssyncset.s32 @!p0 $0xFFFFF086;
	s6 =	sadd.s32 @!p0 s3, s7;
	s7 =	simm.s32 @!p0 $0x108  }
0x21: {  	s3 =	sadd.s32 s3, s9;
	s6 =	sadd.s32 @!p0 $0x88, s6;
	s7 =	simm.s32 @p2 $0x1082  }
0x22: {  	[simem:s7], [sflag:s8] =	dma.local @!p0 [hbm:s6], $0xF7A  }
0x23: {  	s9 =	sor.u32 $0xD0000000, s2;
	s6 =	simm.s32 $0x108;
	_ =	swait.ge @!p0 [sflag:s8], $0x0  }
0x24: {  	s3 =	sadd.s32 $0x88, s3;
	s6 =	simm.s32 @!p1 $0x1082;
	[sflag:s4] =	ssyncset.s32 $0xFFFFF086  }
0x25: {  	[simem:s6], [sflag:s4] =	dma.local [hbm:s3], $0xF7A  }
0x26: {  	[smem:$0x3F9E] =	sst s1;
	(tag) =	ssettag s2;
	_ =	strace s9  }
0x27: {  	s1 =	sld [smem:$0x3FAE]  }
0x28: {  	s2 =	sld [smem:$0x3FAF]  }
0x29: {  	s4 =	sld [smem:$0x3FB1]  }
0x2a: {  	p0 =	seq.s32 s5, $0x0;
	s5 =	sld [smem:$0x3FB2]  }
0x2b: {  	s6 =	sld [smem:$0x3FB3]  }
0x2c: {  	s7 =	sld [smem:$0x3FB4]  }
0x2d: {  	s3 =	simm.s32 $0x108;
	s8 =	sld [smem:$0x3FB5]  }
0x2e: {  	s3 =	simm.s32 @!p0 $0x1082;
	s9 =	sld [smem:$0x3FB6]  }
0x2f: {  	lr =	sadd.s32 s0, s3;
	s0 =	sld [smem:$0x3FAD]  }
0x30: {  	s3 =	sld [smem:$0x3FB0]  }
0x31: {  	[smem:$0x3FB9] =	sst s10  }
0x32: {  	s10 =	sld [smem:$0x3FB7];
	_ =	sdelay $0x3  }
0x33: {  	p0 =	seq.s32 s10, $0x1;
	s10 =	sld [smem:$0x3FB9];
	_ =	sdelay $0x3  }
0x34: {  	[smem:$0x3FB9] =	sst s10  }
0x35: {  	s10 =	sld [smem:$0x3FB8];
	_ =	sdelay $0x3  }
0x36: {  	p1 =	seq.s32 s10, $0x1;
	s10 =	sld [smem:$0x3FB9];
	_ =	sdelay $0x3  }
0x37: {  	[smem:$0x3FB9] =	sst s10  }
0x38: {  	s10 =	sld [smem:$0x3FBA]  }
0x39: {  	_ = 	snop;
	(pc) =	sbr.ind lr, $3  }
0x3a: {  	_ = 	snop  }
0x3b: {  	_ = 	snop  }
0x3c: {  	p2 =	seq.s32 s10, $0x1;
	s10 =	sld [smem:$0x3FB9]  }
0x3d: {  	_ =	shalt  }
0x3e: {  	_ =	shalt  }
0x3f: {  	_ =	shalt  }
0x40: {  	_ =	shalt  }
0x41: {  	_ =	shalt  }
0x42: {  	_ =	shalt  }
0x43: {  	_ =	shalt  }
0x44: {  	_ =	shalt  }
0x45: {  	_ =	shalt  }
0x46: {  	_ =	shalt  }
0x47: {  	_ =	shalt  }
0x48: {  	_ =	shalt  }
0x49: {  	_ =	shalt  }
0x4a: {  	_ =	shalt  }
0x4b: {  	_ =	shalt  }
0x4c: {  	_ =	shalt  }
0x4d: {  	_ =	shalt  }
0x4e: {  	_ =	shalt  }
0x4f: {  	_ =	shalt  }
0x50: {  	_ =	shalt  }
0x51: {  	_ =	shalt  }
0x52: {  	_ =	shalt  }
0x53: {  	_ =	shalt  }
0x54: {  	_ =	shalt  }
0x55: {  	_ =	shalt  }
0x56: {  	_ =	shalt  }
0x57: {  	_ =	shalt  }
0x58: {  	_ =	shalt  }
0x59: {  	_ =	shalt  }
0x5a: {  	_ =	shalt  }
0x5b: {  	_ =	shalt  }
0x5c: {  	_ =	shalt  }
0x5d: {  	_ =	shalt  }
0x5e: {  	_ =	shalt  }
0x5f: {  	_ =	shalt  }
0x60: {  	_ =	shalt  }
0x61: {  	_ =	shalt  }
0x62: {  	_ =	shalt  }
0x63: {  	_ =	shalt  }
0x64: {  	_ =	shalt  }
0x65: {  	_ =	shalt  }
0x66: {  	_ =	shalt  }
0x67: {  	_ =	shalt  }
0x68: {  	_ =	shalt  }
0x69: {  	_ =	shalt  }
0x6a: {  	_ =	shalt  }
0x6b: {  	_ =	shalt  }
0x6c: {  	_ =	shalt  }
0x6d: {  	_ =	shalt  }
0x6e: {  	_ =	shalt  }
0x6f: {  	_ =	shalt  }
0x70: {  	_ =	shalt  }
0x71: {  	_ =	shalt  }
0x72: {  	_ =	shalt  }
0x73: {  	_ =	shalt  }
0x74: {  	_ =	shalt  }
0x75: {  	_ =	shalt  }
0x76: {  	_ =	shalt  }
0x77: {  	_ =	shalt  }
0x78: {  	_ =	shalt  }
0x79: {  	_ =	shalt  }
0x7a: {  	_ =	shalt  }
0x7b: {  	_ =	shalt  }
0x7c: {  	_ =	shalt  }
0x7d: {  	_ =	shalt  }
0x7e: {  	_ =	shalt  }
0x7f: {  	_ =	shalt  }
0x80: {  	_ =	shalt  }
0x81: {  	_ =	shalt  }
0x82: {  	_ =	shalt  }
0x83: {  	_ =	shalt  }
0x84: {  	_ =	shalt  }
0x85: {  	_ =	shalt  }
0x86: {  	_ =	shalt  }
0x87: {  	_ =	shalt  }
.Lfunc_end0:
.L_simem_size_0:
called_computation.1_lowered:
.L_overlay_start_0:
0x88: {  	s2 =	sld [smem:$0x3FD9]  }
0x89: {  	s3 =	sld [smem:$0x3FFE];
	_ =	sdelay $0x1  }
0x8a: {  	s1 =	srdreg.scid  }
0x8b: {  	s0 =	sand.u32 $0x1, s1  }
0x8c: {  	s17 =	sshll.u32 s0, $0xA;
	s2 =	sadd.s32 s3, s2  }
0x8d: {  	s2 =	sadd.s32 s2, s17  }
0x8e: {  	[smem:$0x3FC5] =	sst s2  }
0x8f: {  	_ = 	snop  }
0x90: {  	s2 =	sld [smem:$0x3FD0];
	(tm) =	ssettm $0x1  }
0x91: {  	s18 =	sld [smem:$0x3FFB];
	_ =	sdelay $0x3  }
0x92: {  	_ =	strace s18  }
0x93: {  	s3 =	sld [smem:$0x3FFC];
	_ =	sdelay $0x3  }
0x94: {  	_ =	strace s3  }
0x95: {  	s3 =	sld [smem:$0x3FFD];
	_ =	sdelay $0x3  }
0x96: {  	_ =	strace s3  }
0x97: {  	_ =	strace $0x8FFFFFFF  }
0x98: {  	s19 =	sld [smem:$0x3FDB];
	_ =	sdelay $0x1  }
0x99: {  	s4 =	simm.s32 $_scs_section_size  }
0x9a: {  	s5 =	simm.s32 $_size__tile_overlayer_lowered;
	s6 =	simm.s32 $_tile_overlayer_lowered  }
0x9b: {  	s22 =	simm.s32 $0x1BFF;
	s21 =	sshll.u32 s6, $0x1;
	s3 =	sadd.s32 s4, s19  }
0x9c: {  	s7 =	simm.s32 $0x0;
	s20 =	sshll.u32 s5, $0x1;
	s5 =	sadd.s32 s21, s3  }
0x9d: {  	[timem:s7], [sflag:s22] =	dma.local [hbm:s5], s20  }
0x9e: {  	_ =	swait.ge [sflag:s22], s20  }
0x9f: {  	s4 =	ssub.s32 $0x0, s20;
	[sflag:s22] =	ssyncset.done $0x0  }
0xa0: {  	[sflag:s22] =	ssyncadd.s32 s4;
	_ =	sdelay $0x1  }
0xa1: {  	s23 =	simm.s32 $0x1B8B  }
0xa2: {  	_ =	swait.ge [sflag:s23], $0x1  }
0xa3: {  	[sflag:s23] =	ssyncset.done $0x0  }
0xa4: {  	s25 =	simm.s32 $0x1B8E;
	s24 =	sld [smem:$0x3FFE];
	[sflag:s23] =	ssyncadd.s32 $0xFFFFFFFF  }
0xa5: {  	s26 =	simm.s32 $execute0_lowered;
	[smem:$0x3FD2] =	sst s25  }
0xa6: {  	s5 =	sshll.u32 s26, $0x1;
	_ =	strace $0x80000046;
	[dreg:$0x1] =	wrdreg $0xFFFFFFFF  }
0xa7: {  	s28 =	simm.s32 $_size_execute0_lowered;
	s3 =	sadd.s32 s3, s5;
	[dreg:$0x0] =	wrdreg $0x0  }
0xa8: {  	s5 =	sshll.u32 s28, $0x1;
	[dreg:$0x2] =	wrdreg s3  }
0xa9: {  	[dreg:$0x3] =	wrdreg s5  }
0xaa: {  	[dreg:$0x4] =	wrdreg $0xC0  }
0xab: {  	_ =	task [dreg:s7], $0x5FFFF  }
0xac: {  	[dreg:$0x1] =	wrdreg $0xFFFFFFFF  }
0xad: {  	[dreg:$0x0] =	wrdreg $0x60  }
0xae: {  	[dreg:$0x2] =	wrdreg s24  }
0xaf: {  	[dreg:$0x3] =	wrdreg s2  }
0xb0: {  	[dreg:$0x4] =	wrdreg $0x9  }
0xb1: {  	_ =	task.clear_ibuf [dreg:s7], $0x5FFFF;
	_ =	strace $0x90000046  }
0xb2: {  	s29 =	simm.s32 $0x9;
	_ =	strace $0x80000048  }
0xb3: {  	_ =	swait.ge [sflag:s29], $0x1  }
0xb4: {  	[sflag:s29] =	ssyncadd.s32 $0xFFFFFFFF  }
0xb5: {  	_ =	strace $0x90000048  }
0xb6: {  	_ =	sfence  }
0xb7: {  	s30 =	sld [smem:$0x0];
	_ =	sdelay $0x2  }
0xb8: {  	s31 =	sshll.u32 s1, $0xD;
	s1 =	sshrl.u32 s1, $0x2  }
0xb9: {  	s3 =	sand.u32 $0x4000, s31;
	s1 =	sadd.s32 s1, s30  }
0xba: {  	s0 =	sor.u32 s3, s0;
	s1 =	sshll.u32 s1, $0x11  }
0xbb: {  	s0 =	sor.u32 s1, s0  }
0xbc: {  	s0 =	sadd.s32 $0x8F2B, s0  }
0xbd: {  	[sflag:s0] =	ssyncadd.remote.s32 $0x1  }
0xbe: {  	_ =	sfence.sel $0xFFFF  }
0xbf: {  	[dreg:$0x0] =	wrdreg $0xFFFFFFFF;
	(pc) =	sbr.abs _section_cstart, $3  }
0xc0: {  	[dreg:$0x1] =	wrdreg $0xFFFFFFFF  }
0xc1: {  	_ =	task.clear_ibuf [dreg:s7], $0x2FFFF;
	_ =	strace $0x9FFFFFFF  }
0xc2: {  	(tm) =	ssettm $0x7FFFFFFF  }
0xc3: {  	_ =	shalt  }
tec
execute0_lowered:
.L_overlay_start_1:
0x0: {  	(tag) =	ssettag $0x1  }
0x1: {  	s0 =	srdreg.scid;
	s1 =	rddreg [dreg:$0x0]  }
0x2: {  	s10 =	stileid.u32;
	s2 =	rddreg [dreg:$0x1]  }
0x3: {  	s3 =	simm.s32 $0x0;
	s18 =	simm.s32 $0x80;
	s28 =	simm.s32 $0xC400  }
0x4: {  	s29 =	simm.s32 $0xB;
	s31 =	simm.s32 $0x2;
	s30 =	simm.s32 $0x6  }
0x5: {  	s0 =	sand.u32 $0x1, s0;
	s4 =	sshll.u32 s10, $0x8;
	[smem:$0x7FF] =	sst s3  }
0x6: {  	s19 =	sadd.s32 $0x1000, s1;
	s20 =	sadd.s32 $0x1400, s1;
	s21 =	sshll.u32 s10, $0xE  }
0x7: {  	s10 =	simm.s32 $0x0;
	_ =	strace $0x80000047;
	[dreg:$0x4] =	wrdreg s19  }
0x8: {  	s5 =	sshll.u32 s0, $0x7;
	s7 =	ssub.s32 $0x2, s0;
	[dreg:$0x5] =	wrdreg s20  }
0x9: {  	s0 =	sshll.u32 s0, $0xD;
	s19 =	simm.s32 $0x3;
	s6 =	sor.u32 s5, s4  }
0xa: {  	s9 =	sshrl.u32 s7, $0x1;
	s5 =	sadd.s32 $0xC00, s1;
	s0 =	sor.u32 s0, s21  }
0xb: {  	s4 =	sshrl.u32 s6, $0x3;
	s6 =	sshll.u32 s6, $0x3;
	s24 =	sshrl.u32 s0, $0x3  }
0xc: {  	s25 =	sor.u32 $0xC0000, s0;
	s0 =	sor.u32 $0x100000, s0;
	s8 =	sadd.s32 s4, s1  }
0xd: {  	s4 =	sadd.s32 $0xF43000, s1;
	s1 =	sadd.s32 $0x1800, s1;
	[dreg:$0xd] =	wrdreg s0  }
0xe: {  	s7 =	ssub.s32 s7, s9;
	s6 =	sadd.s32 s2, s6;
	[dreg:$0x7] =	wrdreg s1  }
0xf: {  	s21 =	simm.s32 $0x6400;
	s7 =	smax.u32 s7, $0x1;
	[dreg:$0x6] =	wrdreg s6  }
0x10: {  	s26 =	sshrl.u32 s25, $0x3;
	s8 =	sadd.s32 $0x32C00, s8;
	[dreg:$0xb] =	wrdreg s7  }
0x11: {  	s25 =	simm.s32 $0xA;
	s22 =	sadd.s32 $0x628000, s6;
	[dreg:$0x3] =	wrdreg s8  }
0x12: {  	s0 =	simm.s32 $0xC;
	s23 =	sadd.s32 $0x630000, s6;
	[dreg:$0x8] =	wrdreg s22  }
0x13: {  	s6 =	sadd.s32 $0x638000, s6;
	s1 =	sadd.s32 s24, s2;
	[dreg:$0x9] =	wrdreg s23  }
0x14: {  	s24 =	simm.s32 $0x9;
	s7 =	simm.s32 $0x7;
	[dreg:$0xa] =	wrdreg s6  }
0x15: {  	s15 =	sadd.s32 $0x10000, s1;
	s1 =	sadd.s32 s26, s2;
	s22 =	simm.s32 $0x8400  }
0x16: {  	s23 =	simm.s32 $0xA400;
	s26 =	simm.s32 $0x1;
	s6 =	simm.s32 $0x4  }
0x17: {  	s8 =	simm.s32 $0x8;
	[dreg:$0xc] =	wrdreg s1;
	s1 =	simm.s32 $0x5  }
.LBB2_1:
0x18: {  	s9 =	rddreg [dreg:$0x3];
	s11 =	simm.s32 $0x1000;
	s20 =	simm.s32 $0xD  }
0x19: {  	[tilespmem:s3], [sflag:$0xD] =	stream.strided.gather [hbm4b:s9+s18], $0x6400, s11, s18, $0x38;
	[tilespmem:$0xE400] =	vst v63  }
0x1a: {  	_ =	swait.ge [sflag:s20], $0x6400  }
0x1b: {  	[sflag:s20] =	ssyncset.done $0x0  }
0x1c: {  	[sflag:s20] =	ssyncadd.s32 $0xFFFF9C00  }
0x1d: {  	[tilespmem:s21], [sflag:$0x9] =	stream.linear.gather [hbm4b:s5+s3], $0x2000, $0x38;
	[tilespmem:$0xE400] =	vst v63  }
0x1e: {  	s11 =	rddreg [dreg:$0x4]  }
0x1f: {  	[tilespmem:s22], [sflag:$0xA] =	stream.linear.gather [hbm4b:s11+s3], $0x2000, $0x38;
	[tilespmem:$0xE400] =	vst v63  }
0x20: {  	s12 =	rddreg [dreg:$0x5]  }
0x21: {  	[tilespmem:s23], [sflag:$0xB] =	stream.linear.gather [hbm4b:s12+s3], $0x2000, $0x38;
	[tilespmem:$0xE400] =	vst v63  }
0x22: {  	_ =	swait.ge [sflag:s24], $0x2000  }
0x23: {  	[sflag:s24] =	ssyncset.done $0x0  }
0x24: {  	[sflag:s24] =	ssyncadd.s32 $0xFFFFE000  }
0x25: {  	[tilespmem:s21], [sflag:$0x1] =	stream.indirect.gather.add.f32 [hbm:s4], $0x40, s3, s18, $0xb8;
	[tilespmem:$0xE400] =	vst v63  }
0x26: {  	_ =	swait.ge [sflag:s25], $0x2000  }
0x27: {  	[sflag:s25] =	ssyncset.done $0x0  }
0x28: {  	[sflag:s25] =	ssyncadd.s32 $0xFFFFE000  }
0x29: {  	[tilespmem:s22], [sflag:$0x2] =	stream.indirect.gather.add.f32 [hbm:s4], $0x40, s18, s18, $0xb8;
	[tilespmem:$0xE400] =	vst v63  }
0x2a: {  	_ =	swait.ge [sflag:s26], $0x2000  }
0x2b: {  	[sflag:s26] =	ssyncset.done $0x0  }
0x2c: {  	s13 =	rddreg [dreg:$0x6];
	[sflag:s26] =	ssyncadd.s32 $0xFFFFE000  }
0x2d: {  	[hbm4b:s13+s3] =	stream.linear.scatter [tilespmem:s21], [sflag:$0x5], $0x2000, $0x38;
	[tilespmem:$0xE400] =	vst v63  }
0x2e: {  	s14 =	rddreg [dreg:$0x7]  }
0x2f: {  	[tilespmem:s28], [sflag:$0xC] =	stream.linear.gather [hbm4b:s14+s3], $0x2000, $0x38;
	[tilespmem:$0xE400] =	vst v63  }
0x30: {  	_ =	swait.ge [sflag:s29], $0x2000  }
0x31: {  	[sflag:s29] =	ssyncset.done $0x0  }
0x32: {  	s16 =	simm.s32 $0x100;
	[sflag:s29] =	ssyncadd.s32 $0xFFFFE000  }
0x33: {  	[tilespmem:s23], [sflag:$0x3] =	stream.indirect.gather.add.f32 [hbm:s4], $0x40, s16, s18, $0xb8;
	[tilespmem:$0xE400] =	vst v63  }
0x34: {  	_ =	swait.ge [sflag:s31], $0x2000  }
0x35: {  	[sflag:s31] =	ssyncset.done $0x0  }
0x36: {  	s17 =	sadd.s32 $0xFFFF8000, s15;
	[sflag:s31] =	ssyncadd.s32 $0xFFFFE000  }
0x37: {  	[hbm4b:s17+s3] =	stream.linear.scatter [tilespmem:s22], [sflag:$0x6], $0x2000, $0x38;
	[tilespmem:$0xE400] =	vst v63  }
0x38: {  	_ =	swait.ge [sflag:s1], $0x2000  }
0x39: {  	s9 =	sadd.s32 $0x0, s5;
	[sflag:s1] =	ssyncset.done $0x0  }
0x3a: {  	s20 =	sadd.s32 $0x1000, s9;
	[sflag:s1] =	ssyncadd.s32 $0xFFFFE000  }
0x3b: {  	[tilespmem:s21], [sflag:$0x9] =	stream.linear.gather [hbm4b:s20+s3], $0x2000, $0x38;
	[tilespmem:$0xE400] =	vst v63  }
0x3c: {  	_ =	swait.ge [sflag:s0], $0x2000  }
0x3d: {  	[sflag:s0] =	ssyncset.done $0x0  }
0x3e: {  	s12 =	simm.s32 $0x180;
	[sflag:s0] =	ssyncadd.s32 $0xFFFFE000  }
0x3f: {  	[tilespmem:s28], [sflag:$0x4] =	stream.indirect.gather.add.f32 [hbm:s4], $0x40, s12, s18, $0xb8;
	[tilespmem:$0xE400] =	vst v63  }
0x40: {  	_ =	swait.ge [sflag:s19], $0x2000  }
0x41: {  	[sflag:s19] =	ssyncset.done $0x0  }
0x42: {  	[sflag:s19] =	ssyncadd.s32 $0xFFFFE000  }
0x43: {  	[hbm4b:s15+s3] =	stream.linear.scatter [tilespmem:s23], [sflag:$0x7], $0x2000, $0x38;
	[tilespmem:$0xE400] =	vst v63  }
0x44: {  	_ =	swait.ge [sflag:s30], $0x2000  }
0x45: {  	[sflag:s30] =	ssyncset.done $0x0  }
0x46: {  	s13 =	sadd.s32 $0x1400, s9;
	[sflag:s30] =	ssyncadd.s32 $0xFFFFE000  }
0x47: {  	[tilespmem:s22], [sflag:$0xA] =	stream.linear.gather [hbm4b:s13+s3], $0x2000, $0x38;
	[tilespmem:$0xE400] =	vst v63  }
0x48: {  	_ =	swait.ge [sflag:s24], $0x2000  }
0x49: {  	[sflag:s24] =	ssyncset.done $0x0  }
0x4a: {  	s14 =	simm.s32 $0x200;
	[sflag:s24] =	ssyncadd.s32 $0xFFFFE000  }
0x4b: {  	[tilespmem:s21], [sflag:$0x1] =	stream.indirect.gather.add.f32 [hbm:s4], $0x40, s14, s18, $0xb8;
	[tilespmem:$0xE400] =	vst v63  }
0x4c: {  	_ =	swait.ge [sflag:s6], $0x2000  }
0x4d: {  	[sflag:s6] =	ssyncset.done $0x0  }
0x4e: {  	s13 =	rddreg [dreg:$0xc];
	[sflag:s6] =	ssyncadd.s32 $0xFFFFE000  }
0x4f: {  	[hbm4b:s13+s3] =	stream.linear.scatter [tilespmem:s28], [sflag:$0x8], $0x2000, $0x38;
	[tilespmem:$0xE400] =	vst v63  }
0x50: {  	_ =	swait.ge [sflag:s7], $0x2000  }
0x51: {  	[sflag:s7] =	ssyncset.done $0x0  }
0x52: {  	s16 =	sadd.s32 $0x1800, s9;
	[sflag:s7] =	ssyncadd.s32 $0xFFFFE000  }
0x53: {  	[tilespmem:s23], [sflag:$0xB] =	stream.linear.gather [hbm4b:s16+s3], $0x2000, $0x38;
	[tilespmem:$0xE400] =	vst v63  }
0x54: {  	_ =	swait.ge [sflag:s25], $0x2000  }
0x55: {  	[sflag:s25] =	ssyncset.done $0x0  }
0x56: {  	s17 =	simm.s32 $0x280;
	[sflag:s25] =	ssyncadd.s32 $0xFFFFE000  }
0x57: {  	[tilespmem:s22], [sflag:$0x2] =	stream.indirect.gather.add.f32 [hbm:s4], $0x40, s17, s18, $0xb8;
	[tilespmem:$0xE400] =	vst v63  }
0x58: {  	_ =	swait.ge [sflag:s26], $0x2000  }
0x59: {  	s12 =	rddreg [dreg:$0xd]  }
0x5a: {  	[sflag:s26] =	ssyncset.done $0x0;
	s20 =	sshrl.u32 s12, $0x3  }
0x5b: {  	[sflag:s26] =	ssyncadd.s32 $0xFFFFE000;
	s11 =	sadd.s32 s2, s20  }
0x5c: {  	[hbm4b:s11+s3] =	stream.linear.scatter [tilespmem:s21], [sflag:$0x5], $0x2000, $0x38;
	[tilespmem:$0xE400] =	vst v63  }
0x5d: {  	_ =	swait.ge [sflag:s8], $0x2000  }
0x5e: {  	[sflag:s8] =	ssyncset.done $0x0  }
0x5f: {  	s9 =	sadd.s32 $0x1C00, s9;
	[sflag:s8] =	ssyncadd.s32 $0xFFFFE000  }
0x60: {  	[tilespmem:s28], [sflag:$0xC] =	stream.linear.gather [hbm4b:s9+s3], $0x2000, $0x38;
	[tilespmem:$0xE400] =	vst v63  }
0x61: {  	s14 =	simm.s32 $0x380;
	s13 =	sadd.s32 $0x20000, s13;
	_ =	swait.ge [sflag:s29], $0x2000  }
0x62: {  	s16 =	simm.s32 $0x300;
	s12 =	sadd.s32 $0x100000, s12;
	[sflag:s29] =	ssyncset.done $0x0  }
0x63: {  	s11 =	simm.s32 $0x1000;
	s9 =	sadd.s32 $0x20000, s15;
	[sflag:s29] =	ssyncadd.s32 $0xFFFFE000  }
.LBB2_2:
0x64: {  	[tilespmem:s23], [sflag:$0x3] =	stream.indirect.gather.add.f32 [hbm:s4], $0x40, s16, s18, $0xb8;
	[tilespmem:$0xE400] =	vst v63  }
0x65: {  	s16 =	smov.u32 s11;
	s20 =	smov.u32 s14  }
0x66: {  	p0 =	sne.s32 s11, $0x30000;
	s11 =	sadd.s32 $0x1000, s11;
	_ =	swait.ge [sflag:s31], $0x2000  }
0x67: {  	[sflag:s31] =	ssyncset.done $0x0  }
0x68: {  	s17 =	sadd.s32 $0xFFFF8000, s9;
	[sflag:s31] =	ssyncadd.s32 $0xFFFFE000  }
0x69: {  	[hbm4b:s17+s3] =	stream.linear.scatter [tilespmem:s22], [sflag:$0x6], $0x2000, $0x38;
	[tilespmem:$0xE400] =	vst v63  }
0x6a: {  	_ =	swait.ge [sflag:s1], $0x2000  }
0x6b: {  	s16 =	sadd.s32 s16, s5;
	[sflag:s1] =	ssyncset.done $0x0  }
0x6c: {  	s17 =	sadd.s32 $0x1000, s16;
	[sflag:s1] =	ssyncadd.s32 $0xFFFFE000  }
0x6d: {  	[tilespmem:s21], [sflag:$0x9] =	stream.linear.gather [hbm4b:s17+s3], $0x2000, $0x38;
	[tilespmem:$0xE400] =	vst v63  }
0x6e: {  	_ =	swait.ge [sflag:s0], $0x2000  }
0x6f: {  	[sflag:s0] =	ssyncset.done $0x0  }
0x70: {  	[sflag:s0] =	ssyncadd.s32 $0xFFFFE000  }
0x71: {  	[tilespmem:s28], [sflag:$0x4] =	stream.indirect.gather.add.f32 [hbm:s4], $0x40, s14, s18, $0xb8;
	[tilespmem:$0xE400] =	vst v63  }
0x72: {  	_ =	swait.ge [sflag:s19], $0x2000  }
0x73: {  	[sflag:s19] =	ssyncset.done $0x0  }
0x74: {  	[sflag:s19] =	ssyncadd.s32 $0xFFFFE000  }
0x75: {  	[hbm4b:s9+s3] =	stream.linear.scatter [tilespmem:s23], [sflag:$0x7], $0x2000, $0x38;
	[tilespmem:$0xE400] =	vst v63  }
0x76: {  	_ =	swait.ge [sflag:s30], $0x2000  }
0x77: {  	[sflag:s30] =	ssyncset.done $0x0  }
0x78: {  	s17 =	sadd.s32 $0x1400, s16;
	[sflag:s30] =	ssyncadd.s32 $0xFFFFE000  }
0x79: {  	[tilespmem:s22], [sflag:$0xA] =	stream.linear.gather [hbm4b:s17+s3], $0x2000, $0x38;
	[tilespmem:$0xE400] =	vst v63  }
0x7a: {  	_ =	swait.ge [sflag:s24], $0x2000  }
0x7b: {  	[sflag:s24] =	ssyncset.done $0x0  }
0x7c: {  	s17 =	sadd.s32 $0x80, s14;
	[sflag:s24] =	ssyncadd.s32 $0xFFFFE000  }
0x7d: {  	[tilespmem:s21], [sflag:$0x1] =	stream.indirect.gather.add.f32 [hbm:s4], $0x40, s17, s18, $0xb8;
	[tilespmem:$0xE400] =	vst v63  }
0x7e: {  	_ =	swait.ge [sflag:s6], $0x2000  }
0x7f: {  	[sflag:s6] =	ssyncset.done $0x0  }
0x80: {  	[sflag:s6] =	ssyncadd.s32 $0xFFFFE000  }
0x81: {  	[hbm4b:s13+s3] =	stream.linear.scatter [tilespmem:s28], [sflag:$0x8], $0x2000, $0x38;
	[tilespmem:$0xE400] =	vst v63  }
0x82: {  	_ =	swait.ge [sflag:s7], $0x2000  }
0x83: {  	[sflag:s7] =	ssyncset.done $0x0  }
0x84: {  	s17 =	sadd.s32 $0x1800, s16;
	[sflag:s7] =	ssyncadd.s32 $0xFFFFE000  }
0x85: {  	[tilespmem:s23], [sflag:$0xB] =	stream.linear.gather [hbm4b:s17+s3], $0x2000, $0x38;
	[tilespmem:$0xE400] =	vst v63  }
0x86: {  	_ =	swait.ge [sflag:s25], $0x2000  }
0x87: {  	[sflag:s25] =	ssyncset.done $0x0  }
0x88: {  	s17 =	sadd.s32 $0x100, s14;
	[sflag:s25] =	ssyncadd.s32 $0xFFFFE000  }
0x89: {  	[tilespmem:s22], [sflag:$0x2] =	stream.indirect.gather.add.f32 [hbm:s4], $0x40, s17, s18, $0xb8;
	[tilespmem:$0xE400] =	vst v63  }
0x8a: {  	_ =	swait.ge [sflag:s26], $0x2000  }
0x8b: {  	s17 =	sshrl.u32 s12, $0x3;
	[sflag:s26] =	ssyncset.done $0x0  }
0x8c: {  	s17 =	sadd.s32 s2, s17;
	[sflag:s26] =	ssyncadd.s32 $0xFFFFE000  }
0x8d: {  	[hbm4b:s17+s3] =	stream.linear.scatter [tilespmem:s21], [sflag:$0x5], $0x2000, $0x38;
	[tilespmem:$0xE400] =	vst v63  }
0x8e: {  	_ =	swait.ge [sflag:s8], $0x2000  }
0x8f: {  	[sflag:s8] =	ssyncset.done $0x0  }
.Ltmp0:
0x90: {  	s16 =	sadd.s32 $0x1C00, s16;
	[sflag:s8] =	ssyncadd.s32 $0xFFFFE000;
	(pc) =	sbr.rel @p0 .LBB2_2-.Ltmp0, $4  }
0x91: {  	[tilespmem:s28], [sflag:$0xC] =	stream.linear.gather [hbm4b:s16+s3], $0x2000, $0x38;
	[tilespmem:$0xE400] =	vst v63  }
0x92: {  	s12 =	sadd.s32 $0x100000, s12;
	_ =	swait.ge [sflag:s29], $0x2000  }
0x93: {  	s13 =	sadd.s32 $0x20000, s13;
	s14 =	sadd.s32 $0x200, s14;
	[sflag:s29] =	ssyncset.done $0x0  }
0x94: {  	s9 =	sadd.s32 $0x20000, s9;
	s16 =	sadd.s32 $0x180, s20;
	[sflag:s29] =	ssyncadd.s32 $0xFFFFE000  }
0x95: {  	[tilespmem:s23], [sflag:$0x3] =	stream.indirect.gather.add.f32 [hbm:s4], $0x40, s16, s18, $0xb8;
	[tilespmem:$0xE400] =	vst v63  }
0x96: {  	_ =	swait.ge [sflag:s31], $0x2000  }
0x97: {  	[sflag:s31] =	ssyncset.done $0x0  }
0x98: {  	s9 =	rddreg [dreg:$0x8];
	[sflag:s31] =	ssyncadd.s32 $0xFFFFE000  }
0x99: {  	[hbm4b:s9+s3] =	stream.linear.scatter [tilespmem:s22], [sflag:$0x6], $0x2000, $0x38;
	[tilespmem:$0xE400] =	vst v63  }
0x9a: {  	_ =	swait.ge [sflag:s0], $0x2000  }
0x9b: {  	[sflag:s0] =	ssyncset.done $0x0  }
0x9c: {  	s14 =	simm.s32 $0x6380;
	[sflag:s0] =	ssyncadd.s32 $0xFFFFE000  }
0x9d: {  	[tilespmem:s28], [sflag:$0x4] =	stream.indirect.gather.add.f32 [hbm:s4], $0x40, s14, s18, $0xb8;
	[tilespmem:$0xE400] =	vst v63  }
0x9e: {  	_ =	swait.ge [sflag:s19], $0x2000  }
0x9f: {  	[sflag:s19] =	ssyncset.done $0x0  }
0xa0: {  	s16 =	rddreg [dreg:$0x9];
	[sflag:s19] =	ssyncadd.s32 $0xFFFFE000  }
0xa1: {  	[hbm4b:s16+s3] =	stream.linear.scatter [tilespmem:s23], [sflag:$0x7], $0x2000, $0x38;
	[tilespmem:$0xE400] =	vst v63  }
0xa2: {  	_ =	swait.ge [sflag:s6], $0x2000  }
0xa3: {  	[sflag:s6] =	ssyncset.done $0x0  }
0xa4: {  	s17 =	rddreg [dreg:$0xa];
	[sflag:s6] =	ssyncadd.s32 $0xFFFFE000  }
0xa5: {  	[hbm4b:s17+s3] =	stream.linear.scatter [tilespmem:s28], [sflag:$0x8], $0x2000, $0x38;
	[tilespmem:$0xE400] =	vst v63  }
0xa6: {  	_ =	swait.ge [sflag:s1], $0x2000  }
0xa7: {  	[sflag:s1] =	ssyncset.done $0x0  }
0xa8: {  	[sflag:s1] =	ssyncadd.s32 $0xFFFFE000  }
0xa9: {  	_ =	swait.ge [sflag:s30], $0x2000  }
0xaa: {  	[sflag:s30] =	ssyncset.done $0x0  }
0xab: {  	[sflag:s30] =	ssyncadd.s32 $0xFFFFE000  }
0xac: {  	_ =	swait.ge [sflag:s7], $0x2000  }
0xad: {  	[sflag:s7] =	ssyncset.done $0x0  }
0xae: {  	[sflag:s7] =	ssyncadd.s32 $0xFFFFE000  }
0xaf: {  	_ =	swait.ge [sflag:s8], $0x2000  }
0xb0: {  	s10 =	sadd.s32 $0x1, s10;
	s20 =	rddreg [dreg:$0xb]  }
0xb1: {  	p0 =	sne.s32 s10, s20  }
.Ltmp1:
0xb2: {  	_ = 	snop;
	(pc) =	sbr.rel @p0 .LBB2_1-.Ltmp1, $3  }
0xb3: {  	_ =	sdelay $0x1  }
0xb4: {  	[sflag:s8] =	ssyncset.done $0x0  }
0xb5: {  	[sflag:s8] =	ssyncadd.s32 $0xFFFFE000  }
0xb6: {  	_ =	sfence.sel $0x180000  }
0xb7: {  	[bflag:$0x0] =	sbarrier.arrive $0xFFFF  }
0xb8: {  	_ =	strace $0x90000047  }
0xb9: {  	s0 =	stileid.u32;
	[bflag:$0x2] =	sbarrier.arrive $0xFFFF  }
0xba: {  	p0 =	sne.s32 s0, $0x0;
	s0 =	rddreg [dreg:$0x2]  }
0xbb: {  	s0 =	sadd.s32 @!p0 $0x100000, s0  }
0xbc: {  	[sflag:s0] =	ssyncadd.tile.s32 @!p0 $0x1;
	_ =	shalt  }
.Lfunc_end2:
_tile_overlayer_lowered:
.L_overlay_start_2:
0xbd: {  	(tag) =	ssettag $0x2  }
0xbe: {  	s0 =	rddreg [dreg:$0x0];
	s2 =	stileid.u32  }
0xbf: {  	s1 =	rddreg [dreg:$0x1];
	p0 =	sne.s32 s2, $0x0  }
0xc0: {  	s3 =	rddreg [dreg:$0x2];
	[bflag:$0x3] =	sbarrier.arrive $0xFFFF;
	s2 =	simm.s32 @!p0 $0x1C0D  }
0xc1: {  	[timem:s3], [sflag:s2] =	dma.local @!p0 [hbm:s0], s1  }
0xc2: {  	s0 =	simm.s32 @!p0 $0xD  }
0xc3: {  	_ =	swait.ge @!p0 [sflag:s0], s1  }
0xc4: {  	s1 =	ssub.s32 @!p0 $0x0, s1;
	[sflag:s0] =	ssyncset.done @!p0 $0x0  }
0xc5: {  	[sflag:s0] =	ssyncadd.s32 @!p0 s1  }
0xc6: {  	[bflag:$0x3] =	sbarrier.arrive $0xFFFF  }
0xc7: {  	_ =	shalt  }

// kernel: sparse-core-data-format-call.cloned.1.call-start
scs
called_computation_lowered:
.L_overlay_start_0:
0x0: {  	s2 =	sld [smem:$0x3FD9]  }
0x1: {  	s3 =	sld [smem:$0x3FFE];
	_ =	sdelay $0x1  }
0x2: {  	s1 =	srdreg.scid  }
0x3: {  	s0 =	sand.u32 $0x1, s1  }
0x4: {  	s18 =	sshll.u32 s0, $0xA;
	s2 =	sadd.s32 s3, s2  }
0x5: {  	s2 =	sadd.s32 s2, s18  }
0x6: {  	[smem:$0x3FC5] =	sst s2  }
0x7: {  	_ = 	snop  }
0x8: {  	s2 =	sld [smem:$0x3FD0];
	(tm) =	ssettm $0x1  }
0x9: {  	s19 =	sld [smem:$0x3FFB];
	_ =	sdelay $0x3  }
0xa: {  	_ =	strace s19  }
0xb: {  	s3 =	sld [smem:$0x3FFC];
	_ =	sdelay $0x3  }
0xc: {  	_ =	strace s3  }
0xd: {  	s3 =	sld [smem:$0x3FFD];
	_ =	sdelay $0x3  }
0xe: {  	_ =	strace s3  }
0xf: {  	_ =	strace $0x8FFFFFFF  }
0x10: {  	s20 =	sld [smem:$0x3FDB];
	_ =	sdelay $0x1  }
0x11: {  	s4 =	simm.s32 $_scs_section_size  }
0x12: {  	s5 =	simm.s32 $_size__tile_overlayer_lowered;
	s6 =	simm.s32 $_tile_overlayer_lowered  }
0x13: {  	s23 =	simm.s32 $0x1BFF;
	s22 =	sshll.u32 s6, $0x1;
	s3 =	sadd.s32 s4, s20  }
0x14: {  	s7 =	simm.s32 $0x0;
	s21 =	sshll.u32 s5, $0x1;
	s5 =	sadd.s32 s22, s3  }
0x15: {  	[timem:s7], [sflag:s23] =	dma.local [hbm:s5], s21  }
0x16: {  	_ =	swait.ge [sflag:s23], s21  }
0x17: {  	s4 =	ssub.s32 $0x0, s21;
	[sflag:s23] =	ssyncset.done $0x0  }
0x18: {  	[sflag:s23] =	ssyncadd.s32 s4;
	_ =	sdelay $0x1  }
0x19: {  	s24 =	simm.s32 $0x1B8B  }
0x1a: {  	_ =	swait.ge [sflag:s24], $0x1  }
0x1b: {  	[sflag:s24] =	ssyncset.done $0x0  }
0x1c: {  	s26 =	simm.s32 $0x1B8E;
	s25 =	sld [smem:$0x3FFE];
	[sflag:s24] =	ssyncadd.s32 $0xFFFFFFFF  }
0x1d: {  	s27 =	simm.s32 $execute0_lowered;
	[smem:$0x3FD2] =	sst s26  }
0x1e: {  	s5 =	sshll.u32 s27, $0x1;
	_ =	strace $0x80000049;
	[dreg:$0x1] =	wrdreg $0xFFFFFFFF  }
0x1f: {  	s28 =	simm.s32 $_size_execute0_lowered;
	s3 =	sadd.s32 s3, s5;
	[dreg:$0x0] =	wrdreg $0x0  }
0x20: {  	s5 =	sshll.u32 s28, $0x1;
	[dreg:$0x2] =	wrdreg s3  }
0x21: {  	[dreg:$0x3] =	wrdreg s5  }
0x22: {  	[dreg:$0x4] =	wrdreg $0xC0  }
0x23: {  	_ =	task [dreg:s7], $0x5FFFF  }
0x24: {  	[dreg:$0x1] =	wrdreg $0xFFFFFFFF  }
0x25: {  	[dreg:$0x0] =	wrdreg $0x60  }
0x26: {  	[dreg:$0x2] =	wrdreg s25  }
0x27: {  	[dreg:$0x3] =	wrdreg s2  }
0x28: {  	[dreg:$0x4] =	wrdreg $0x9  }
0x29: {  	_ =	task.clear_ibuf [dreg:s7], $0x5FFFF;
	_ =	strace $0x90000049  }
0x2a: {  	s29 =	simm.s32 $0x9;
	_ =	strace $0x8000004B  }
0x2b: {  	_ =	swait.ge [sflag:s29], $0x1  }
0x2c: {  	[sflag:s29] =	ssyncadd.s32 $0xFFFFFFFF  }
0x2d: {  	_ =	strace $0x9000004B  }
0x2e: {  	_ =	sfence  }
0x2f: {  	s30 =	sld [smem:$0x0];
	_ =	sdelay $0x2  }
0x30: {  	s31 =	sshll.u32 s1, $0xD;
	s1 =	sshrl.u32 s1, $0x2  }
0x31: {  	s3 =	sand.u32 $0x4000, s31;
	s1 =	sadd.s32 s1, s30  }
0x32: {  	s0 =	sor.u32 s3, s0;
	s1 =	sshll.u32 s1, $0x11  }
0x33: {  	s0 =	sor.u32 s1, s0  }
0x34: {  	s0 =	sadd.s32 $0x8F2B, s0  }
0x35: {  	[sflag:s0] =	ssyncadd.remote.s32 $0x1  }
0x36: {  	_ =	sfence.sel $0xFFFF  }
0x37: {  	[dreg:$0x0] =	wrdreg $0xFFFFFFFF;
	(pc) =	sbr.abs _section_cstart, $3  }
0x38: {  	[dreg:$0x1] =	wrdreg $0xFFFFFFFF  }
0x39: {  	_ =	task.clear_ibuf [dreg:s7], $0x2FFFF;
	_ =	strace $0x9FFFFFFF  }
0x3a: {  	(tm) =	ssettm $0x7FFFFFFF  }
0x3b: {  	_ =	shalt  }
tec
execute0_lowered:
.L_overlay_start_1:
0x0: {  	(tag) =	ssettag $0x1  }
0x1: {  	s0 =	srdreg.scid  }
0x2: {  	s1 =	sshll.u32 s0, $0x4  }
0x3: {  	s5 =	rddreg [dreg:$0x0];
	s0 =	stileid.u32;
	s1 =	sand.u32 $0x10, s1  }
0x4: {  	s3 =	rddreg [dreg:$0x1];
	s31 =	simm.s32 $0x2;
	s4 =	sor.u32 s0, s1  }
0x5: {  	s13 =	simm.s32 $0x0;
	s9 =	simm.s32 $0x400;
	s2 =	sshll.u32 s4, $0x7  }
0x6: {  	s10 =	simm.s32 $0x8000;
	s14 =	simm.s32 $0x0;
	s6 =	ssub.s32 $0x1000, s2  }
0x7: {  	s1 =	rddreg [dreg:$0x2];
	_ =	strace $0x8000004A;
	s7 =	sand.u32 $0xF80, s6  }
0x8: {  	s4 =	sshll.u32 s4, $0xB;
	p0 =	sne.s32 s7, $0x0;
	s7 =	simm.s32 $0x1  }
.Ltmp0:
0x9: {  	s6 =	sshrl.u32 s6, $0xC;
	s7 =	simm.s32 @!p0 $0x0;
	(pc) =	sbr.rel .LBB1_1-.Ltmp0, $4  }
0xa: {  	s8 =	sadd.s32 s4, s5;
	s4 =	simm.s32 $0x1;
	s30 =	sadd.s32 s7, s6  }
0xb: {  	s11 =	simm.s32 $0x0;
	[sflag:s4] =	ssyncpa.u1 $0x0;
	s5 =	smul.u32 $0x64, s30  }
0xc: {  	s12 =	simm.s32 $0x0;
	[sflag:s31] =	ssyncpa.u1 $0x0;
	p0 =	por $0x0, $0x0  }
0xd: {  	s6 =	sadd.s32 $0xC00, s8;
	s7 =	sadd.s32 $0x10C00, s8;
	s8 =	sor.u32 $0x1, s5  }
.LBB1_7:
0xe: {  	s15 =	sadd.s32 $0x2, s11  }
0xf: {  	p2 =	sgt.s32 s15, $0xC7  }
0x10: {  	s15 =	simm.s32 @p2 $0x0;
	p2 =	sne.s32 s12, s8  }
.Ltmp1:
0x11: {  	p1 =	slt.u32 s12, $0x2;
	(pc) =	sbr.rel @!p2 .LBB1_8-.Ltmp1, $4  }
0x12: {  	s13 =	simm.s32 @!p1 $0x2  }
0x13: {  	s16 =	sadd.s32 $0x1, s12;
	s14 =	smov.u32 s11;
	_ =	swait.ge @!p1 [sflag:s13], $0x4000  }
0x14: {  	p0 =	por !p0, !p0;
	s12 =	smov.u32 s16;
	[sflag:s13] =	ssyncset.done @!p1 $0x0  }
0x15: {  	s11 =	smov.u32 s15;
	[sflag:s13] =	ssyncadd.s32 @!p1 $0xFFFFC000;
	s13 =	smov.u32 s2  }
.LBB1_1:
0x16: {  	p1 =	sge.u32 s12, s5  }
0x17: {  	s15 =	sxor.u32 @!p1 $0xFFFFFFFF, s12  }
0x18: {  	s16 =	sshll.u32 @!p1 s11, $0x10;
	s18 =	simm.s32 @!p1 $0x40;
	s15 =	sshll.u32 @!p1 s15, $0xE  }
0x19: {  	s19 =	simm.s32 @!p1 $0x80;
	s17 =	sadd.s32 @!p1 s16, s6;
	s15 =	sand.u32 @!p1 $0x4000, s15  }
0x1a: {  	[tilespmem:s15], [sflag:$0x1] =	stream.strided.gather @!p1 [hbm4b:s17+s18], $0x2000, s19, s18, $0x38;
	[tilespmem:$0x10100] =	vst v63  }
0x1b: {  	s31 =	sadd.s32 $0xFFFFFFFF, s12;
	s16 =	sadd.s32 @!p1 s16, s7;
	s15 =	sor.u32 @!p1 $0x2000, s15  }
0x1c: {  	[tilespmem:s15], [sflag:$0x1] =	stream.strided.gather @!p1 [hbm4b:s16+s18], $0x2000, s19, s18, $0x38;
	[tilespmem:$0x10100] =	vst v63  }
0x1d: {  	p1 =	sge.u32 s31, s5  }
.Ltmp2:
0x1e: {  	_ = 	snop;
	(pc) =	sbr.rel @p1 .LBB1_7-.Ltmp2, $1  }
0x1f: {  	_ =	sdelay $0x3  }
0x20: {  	s15 =	simm.s32 $0x1;
	s17 =	sand.u32 $0x1, s12  }
0x21: {  	_ =	swait.ge [sflag:s4], $0x4000;
	s15 =	simm.s32 @!p0 $0x0;
	s17 =	smul.u32 $0x10200, s17  }
0x22: {  	p2 =	por $0x1, $0x1;
	[sflag:s4] =	ssyncset.done $0x0;
	s16 =	smul.u32 $0x10200, s15  }
0x23: {  	s18 =	sshll.u32 s15, $0x10;
	[sflag:s4] =	ssyncadd.s32 $0xFFFFC000;
	s30 =	sshrl.u32 s17, $0x2  }
0x24: {  	s31 =	sshrl.u32 s18, $0x2;
	s18 =	simm.s32 $0x0;
	s16 =	sshrl.u32 s16, $0x2  }
0x25: {  	s15 =	sor.u32 $0x8000, s30;
	s17 =	sadd.s32 $0x20, s31;
	s16 =	sor.u32 $0x8000, s16  }
.LBB1_3:
0x26: {  	s19 =	sshll.u32 s18, $0xD  }
0x27: {  	s19 =	sand.u32 $0x3FFFE000, s19  }
0x28: {  	s21 =	sadd.s32 s19, s17  }
0x29: {  	s31 =	smul.u32 $0x8100, s18;
	v3 =	vld [tilespmem:s21+$0x10]  }
0x2a: {  	v1 =	vld [tilespmem:s21+$0xFFFFFFF0]  }
0x2b: {  	s18 =	sshra.s32 s31, $0x2;
	v0 =	vld [tilespmem:s21+$0x0]  }
0x2c: {  	s18 =	sadd.s32 s18, s16;
	v2 =	vld [tilespmem:s21+$0xFFFFFFE0]  }
0x2d: {  	s19 =	sadd.s32 $0x0, s18  }
0x2e: {  	p1 =	por p2, p2;
	s20 =	simm.s32 $0x4;
	s21 =	sadd.s32 $0x40, s21;
	[tilespmem:s19+$0x1830 ss:$0x81] =	vst.msk $0xffff, v3  }
.LBB1_4:
0x2f: {  	v3 =	vld [tilespmem:s21+$0x10];
	p2 =	sne.s32 s20, $0x1FC;
	[tilespmem:s19+$0x810 ss:$0x81] =	vst.msk $0xffff, v1;
	s22 =	smov.u32 s20;
	s20 =	sadd.s32 $0x4, s20  }
.Ltmp3:
0x30: {  	v1 =	vld [tilespmem:s21+$0xFFFFFFF0];
	[tilespmem:s19+$0x1020 ss:$0x81] =	vst.msk $0xffff, v0;
	(pc) =	sbr.rel @p2 .LBB1_4-.Ltmp3, $4  }
0x31: {  	v0 =	vld [tilespmem:s21+$0x0];
	[tilespmem:s19+$0x0 ss:$0x81] =	vst.msk $0xffff, v2  }
0x32: {  	s19 =	sshra.s32 s22, $0x2;
	v2 =	vld [tilespmem:s21+$0xFFFFFFE0]  }
0x33: {  	s19 =	sadd.s32 s19, s18  }
0x34: {  	s21 =	sadd.s32 $0x40, s21;
	[tilespmem:s19+$0x1830 ss:$0x81] =	vst.msk $0xffff, v3  }
.Ltmp4:
0x35: {  	(pc) =	sbr.rel @p1 .LBB1_3-.Ltmp4, $4  }
0x36: {  	_ = 	snop  }
0x37: {  	[tilespmem:s19+$0x810 ss:$0x81] =	vst.msk $0xffff, v1  }
0x38: {  	[tilespmem:s19+$0x1020 ss:$0x81] =	vst.msk $0xffff, v0  }
0x39: {  	s18 =	simm.s32 $0x1;
	p2 =	por $0x0, $0x0;
	[tilespmem:s19+$0x0 ss:$0x81] =	vst.msk $0xffff, v2  }
.Ltmp5:
0x3a: {  	(pc) =	sbr.rel .LBB1_7-.Ltmp5, $4  }
0x3b: {  	s14 =	sshll.u32 s14, $0xF  }
0x3c: {  	s14 =	sadd.s32 s3, s14  }
0x3d: {  	s13 =	sadd.s32 s13, s14  }
0x3e: {  	[hbm4b:s13+s9] =	stream.strided.scatter [tilespmem:s15], [sflag:$0x2], $0x4000, s10, s9, $0x20;
	[tilespmem:$0x10100] =	vst v63  }
.LBB1_8:
0x3f: {  	_ =	sfence.sel $0x180000  }
0x40: {  	s2 =	simm.s32 $0x1;
	[bflag:$0x0] =	sbarrier.arrive $0xFFFF  }
0x41: {  	s31 =	simm.s32 $0x2;
	[sflag:s2] =	ssyncpa.u1 $0x1  }
0x42: {  	[sflag:s31] =	ssyncpa.u1 $0x1  }
0x43: {  	p0 =	sne.s32 s0, $0x0;
	_ =	strace $0x9000004A  }
0x44: {  	s0 =	sadd.s32 @!p0 $0x100000, s1;
	[bflag:$0x2] =	sbarrier.arrive $0xFFFF  }
0x45: {  	[sflag:s0] =	ssyncadd.tile.s32 @!p0 $0x1;
	_ =	shalt  }
.Lfunc_end1:
_tile_overlayer_lowered:
.L_overlay_start_2:
0x46: {  	(tag) =	ssettag $0x2  }
0x47: {  	s0 =	rddreg [dreg:$0x0];
	s2 =	stileid.u32  }
0x48: {  	s1 =	rddreg [dreg:$0x1];
	p0 =	sne.s32 s2, $0x0  }
0x49: {  	s3 =	rddreg [dreg:$0x2];
	[bflag:$0x3] =	sbarrier.arrive $0xFFFF;
	s2 =	simm.s32 @!p0 $0x1C01  }
0x4a: {  	[timem:s3], [sflag:s2] =	dma.local @!p0 [hbm:s0], s1  }
0x4b: {  	s0 =	simm.s32 @!p0 $0x1  }
0x4c: {  	_ =	swait.ge @!p0 [sflag:s0], s1  }
0x4d: {  	s1 =	ssub.s32 @!p0 $0x0, s1;
	[sflag:s0] =	ssyncset.done @!p0 $0x0  }
0x4e: {  	[sflag:s0] =	ssyncadd.s32 @!p0 s1  }
0x4f: {  	[bflag:$0x3] =	sbarrier.arrive $0xFFFF  }
0x50: {  	_ =	shalt  }

</sc_bundles>
